<compile_context>
chip_gen: v7x
topology: tpu7x:2x2x1
jax: 0.10.2.dev20260603
libtpu: 0.0.44.dev20260713+nightly
codegen_flags: <defaults>
</compile_context>

<pallas_src>
import functools

import jax
import jax.numpy as jnp
from jax import lax
from jax.experimental import pallas as pl
from jax.experimental.pallas import tpu as pltpu
from jax.experimental.pallas import tpu_sc as plsc

_NC = 2
_NS = 16
_NW = _NC * _NS
_CHUNK = 2048
_C = 24
_NACC = 4


def _sc_body(n_tokens, yp_hbm, idx_hbm, bt_hbm, out_hbm,
             yb0, yb1, ib0, ib1, btb, pb,
             sy0, sy1, si0, si1):
    tpw = n_tokens // _NW
    nchunk = tpw // _CHUNK

    wid = lax.axis_index("s") * _NC + lax.axis_index("c")
    woff = wid * tpw

    ybufs = (yb0, yb1)
    ibufs = (ib0, ib1)
    ysems = (sy0, sy1)
    isems = (si0, si1)

    pltpu.sync_copy(bt_hbm, btb)

    i24 = lax.iota(jnp.int32, 16) * _C

    def _start(ch, b):
        pltpu.make_async_copy(
            yp_hbm.at[pl.ds((woff + ch * _CHUNK) * _C, _CHUNK * _C)],
            ybufs[b], ysems[b]).start()
        pltpu.make_async_copy(
            idx_hbm.at[pl.ds(woff + ch * _CHUNK, _CHUNK)],
            ibufs[b], isems[b]).start()

    def _wait(b):
        pltpu.make_async_copy(
            yp_hbm.at[pl.ds(0, _CHUNK * _C)], ybufs[b], ysems[b]).wait()
        pltpu.make_async_copy(
            idx_hbm.at[pl.ds(0, _CHUNK)], ibufs[b], isems[b]).wait()

    def _process(b, accs):
        ybuf = ybufs[b]
        ibuf = ibufs[b]

        def _group(g, accs):
            accs = list(accs)
            idxv = ibuf[pl.ds(g * 16, 16)]
            wbase = idxv * _C
            ybase = i24 + g * (16 * _C)
            for j in range(_C):
                w = plsc.load_gather(btb, [wbase + j])
                y = plsc.load_gather(ybuf, [ybase + j])
                accs[j % _NACC] = accs[j % _NACC] + w * y
            return tuple(accs)

        return lax.fori_loop(0, _CHUNK // 16, _group, accs)

    _start(0, 0)

    def _outer(h, accs):
        for b in range(2):
            ch = h * 2 + b
            nxt = ch + 1

            @pl.when(nxt < nchunk)
            def _():
                _start(nxt, (b + 1) % 2)

            _wait(b)
            accs = _process(b, accs)
        return accs

    zeros = jnp.zeros((16,), jnp.float32)
    accs = lax.fori_loop(0, nchunk // 2, _outer, (zeros,) * _NACC)

    total = accs[0]
    for a in accs[1:]:
        total = total + a
    pb[...] = total
    pltpu.sync_copy(pb, out_hbm.at[wid])


def kernel(y_true, y_pred, B):
    n = y_true.shape[0] * y_true.shape[1]
    idx = y_true.reshape(-1).astype(jnp.int32)
    yp = y_pred.reshape(-1)
    btflat = B.T.reshape(-1)

    mesh = plsc.VectorSubcoreMesh(core_axis_name="c", subcore_axis_name="s")
    run = pl.kernel(
        functools.partial(_sc_body, n),
        out_type=jax.ShapeDtypeStruct((_NW, 16), jnp.float32),
        mesh=mesh,
        scratch_types=[
            pltpu.VMEM((_CHUNK * _C,), jnp.float32),
            pltpu.VMEM((_CHUNK * _C,), jnp.float32),
            pltpu.VMEM((_CHUNK,), jnp.int32),
            pltpu.VMEM((_CHUNK,), jnp.int32),
            pltpu.VMEM((576,), jnp.float32),
            pltpu.VMEM((16,), jnp.float32),
            pltpu.SemaphoreType.DMA,
            pltpu.SemaphoreType.DMA,
            pltpu.SemaphoreType.DMA,
            pltpu.SemaphoreType.DMA,
        ],
        compiler_params=pltpu.CompilerParams(needs_layout_passes=False),
    )
    out = run(yp, idx, btflat)
    return jnp.sum(out)

# --- scband reference (transcript-rebuilt; emitter-appended) ---
"""Pipeline reference for scband-score-blosum-24610162606541 (READ-ONLY COPY).

The authoritative reference and input builder live on the scoring server;
editing this copy changes nothing except your own understanding.
"""

import jax, jax.numpy as jnp
import numpy as np


def setup_inputs(seed: int = 0) -> dict:
    key = jax.random.key(seed)
    k1, k2, k3 = jax.random.split(key, 3)
    y_true = jax.random.randint(k1, (16384, 200), 0, 24, dtype=jnp.int64)
    y_pred = jax.random.normal(k2, (16384, 200, 24), dtype=jnp.float32)
    # BLOSUM substitution matrix (24x24 alphabet incl. B, Z, X, *); random stand-in
    B = jax.random.normal(k3, (24, 24), dtype=jnp.float32)
    return {"y_true": y_true, "y_pred": y_pred, "B": B}


def reference(y_true, y_pred, B):
    # self.B = B.T (done at __init__ in the torch module)
    Bt = jnp.transpose(B, (1, 0))
    # row-gather from the 24x24 substitution matrix per token (embedding lookup)
    gathered = jnp.take(Bt, y_true.reshape(-1), axis=0)            # [N, 24]
    yp = y_pred.reshape(-1, y_pred.shape[-1])                      # [N, 24]
    return jnp.sum(gathered * yp)

if __name__ == "__main__":
    import jax
    _d = setup_inputs()
    print(jax.jit(kernel)(*tuple(_d.values())))

</pallas_src>

<mosaic_0001>
#map = affine_map<(d0, d1) -> (0)>
#map1 = affine_map<(d0, d1) -> (0, 0)>
module attributes {stable_mosaic.version = 14 : i64} {
  func.func @_sc_body(%arg0: i32, %arg1: i32, %arg2: memref<78643200xf32, #tpu.memory_space<hbm>>, %arg3: memref<3276800xi32, #tpu.memory_space<hbm>>, %arg4: memref<576xf32, #tpu.memory_space<hbm>>, %arg5: memref<32x16xf32, #tpu.memory_space<hbm>>, %arg6: memref<49152xf32, #tpu.memory_space<vmem>>, %arg7: memref<49152xf32, #tpu.memory_space<vmem>>, %arg8: memref<2048xi32, #tpu.memory_space<vmem>>, %arg9: memref<2048xi32, #tpu.memory_space<vmem>>, %arg10: memref<576xf32, #tpu.memory_space<vmem>>, %arg11: memref<16xf32, #tpu.memory_space<vmem>>, %arg12: memref<!tpu.dma_semaphore, #tpu.memory_space<semaphore_mem>>, %arg13: memref<!tpu.dma_semaphore, #tpu.memory_space<semaphore_mem>>, %arg14: memref<!tpu.dma_semaphore, #tpu.memory_space<semaphore_mem>>, %arg15: memref<!tpu.dma_semaphore, #tpu.memory_space<semaphore_mem>>) attributes {dimension_semantics = [#tpu.dimension_semantics<core_parallel>, #tpu.dimension_semantics<subcore_parallel>], iteration_bounds = array<i64: 2, 16>, scalar_prefetch = 0 : i64, scratch_operands = 10 : i64, tpu.core_type = #tpu.core_type<sc_vector_subcore>, window_params = [{transform_indices = #map}, {transform_indices = #map}, {transform_indices = #map}, {transform_indices = #map1}]} {
    %mul3A = arith.constant 2 : i32
    %mul3A_0 = arith.muli %arg1, %mul3A : i32
    %add3A = arith.addi %mul3A_0, %arg0 : i32
    %mul3A_1 = arith.constant 102400 : i32
    %mul3A_2 = arith.muli %add3A, %mul3A_1 : i32
    "tpu.region"() ({
      %run_scoped3A = tpu.sem_alloc : memref<!tpu.dma_semaphore, #tpu.memory_space<semaphore_mem>>
      tpu.enqueue_dma source(%arg4 : memref<576xf32, #tpu.memory_space<hbm>>) target(%arg10 : memref<576xf32, #tpu.memory_space<vmem>>) target_semaphore(%run_scoped3A : memref<!tpu.dma_semaphore, #tpu.memory_space<semaphore_mem>>)
      tpu.wait_dma2 semaphore(%run_scoped3A : memref<!tpu.dma_semaphore, #tpu.memory_space<semaphore_mem>>) src(%arg4 : memref<576xf32, #tpu.memory_space<hbm>>) dst(%arg10 : memref<576xf32, #tpu.memory_space<vmem>>)
      tpu.yield
    }) : () -> ()
    %iota3A = tpu.iota {dimensions = array<i32: 0>} : vector<16xi32>
    %mul3A_3 = arith.constant 24 : i32
    %mul3A_4 = vector.broadcast %mul3A_3 : i32 to vector<16xi32>
    %mul3A_5 = arith.muli %iota3A, %mul3A_4 : vector<16xi32>
    %add3A_6 = arith.constant 0 : i32
    %add3A_7 = arith.addi %mul3A_2, %add3A_6 : i32
    %mul3A_8 = arith.constant 24 : i32
    %mul3A_9 = arith.muli %add3A_7, %mul3A_8 : i32
    %dma_start3A = tpu.memref_slice %arg2[%mul3A_9] : memref<78643200xf32, #tpu.memory_space<hbm>> -> memref<49152xf32, #tpu.memory_space<hbm>>
    %dma_start3A_10 = tpu.memref_slice %arg2[%mul3A_9] : memref<78643200xf32, #tpu.memory_space<hbm>> -> memref<49152xf32, #tpu.memory_space<hbm>>
    tpu.enqueue_dma source(%dma_start3A_10 : memref<49152xf32, #tpu.memory_space<hbm>>) target(%arg6 : memref<49152xf32, #tpu.memory_space<vmem>>) target_semaphore(%arg12 : memref<!tpu.dma_semaphore, #tpu.memory_space<semaphore_mem>>)
    %add3A_11 = arith.constant 0 : i32
    %add3A_12 = arith.addi %mul3A_2, %add3A_11 : i32
    %dma_start3A_13 = tpu.memref_slice %arg3[%add3A_12] : memref<3276800xi32, #tpu.memory_space<hbm>> -> memref<2048xi32, #tpu.memory_space<hbm>>
    %dma_start3A_14 = tpu.memref_slice %arg3[%add3A_12] : memref<3276800xi32, #tpu.memory_space<hbm>> -> memref<2048xi32, #tpu.memory_space<hbm>>
    tpu.enqueue_dma source(%dma_start3A_14 : memref<2048xi32, #tpu.memory_space<hbm>>) target(%arg8 : memref<2048xi32, #tpu.memory_space<vmem>>) target_semaphore(%arg14 : memref<!tpu.dma_semaphore, #tpu.memory_space<semaphore_mem>>)
    %broadcast_in_dim3A = arith.constant 0.000000e+00 : f32
    %broadcast_in_dim3A_15 = vector.broadcast %broadcast_in_dim3A : f32 to vector<16xf32>
    %scan3A = arith.constant 0 : i32
    %scan3A_16 = arith.constant 25 : i32
    %scan3A_17 = arith.addi %scan3A, %scan3A_16 : i32
    %scan3A_18 = arith.constant 1 : i32
    %scan3A_19:4 = scf.for %scan3A_25 = %scan3A to %scan3A_17 step %scan3A_18 iter_args(%scan3A_26 = %broadcast_in_dim3A_15, %scan3A_27 = %broadcast_in_dim3A_15, %scan3A_28 = %broadcast_in_dim3A_15, %scan3A_29 = %broadcast_in_dim3A_15) -> (vector<16xf32>, vector<16xf32>, vector<16xf32>, vector<16xf32>)  : i32 {
      %mul3A_30 = arith.constant 2 : i32
      %mul3A_31 = arith.muli %scan3A_25, %mul3A_30 : i32
      %add3A_32 = arith.constant 0 : i32
      %add3A_33 = arith.addi %mul3A_31, %add3A_32 : i32
      %add3A_34 = arith.constant 1 : i32
      %add3A_35 = arith.addi %add3A_33, %add3A_34 : i32
      %lt3A = arith.constant 50 : i32
      %lt3A_36 = arith.cmpi slt, %add3A_35, %lt3A : i32
      %convert_element_type3A = arith.extui %lt3A_36 : i1 to i32
      %cond3A = arith.constant 0 : i32
      %cond3A_37 = arith.cmpi ne, %convert_element_type3A, %cond3A : i32
      scf.if %cond3A_37 {
        %mul3A_76 = arith.constant 2048 : i32
        %mul3A_77 = arith.muli %add3A_35, %mul3A_76 : i32
        %add3A_78 = arith.addi %mul3A_2, %mul3A_77 : i32
        %mul3A_79 = arith.constant 24 : i32
        %mul3A_80 = arith.muli %add3A_78, %mul3A_79 : i32
        %dma_start3A_81 = tpu.memref_slice %arg2[%mul3A_80] : memref<78643200xf32, #tpu.memory_space<hbm>> -> memref<49152xf32, #tpu.memory_space<hbm>>
        %dma_start3A_82 = tpu.memref_slice %arg2[%mul3A_80] : memref<78643200xf32, #tpu.memory_space<hbm>> -> memref<49152xf32, #tpu.memory_space<hbm>>
        tpu.enqueue_dma source(%dma_start3A_82 : memref<49152xf32, #tpu.memory_space<hbm>>) target(%arg7 : memref<49152xf32, #tpu.memory_space<vmem>>) target_semaphore(%arg13 : memref<!tpu.dma_semaphore, #tpu.memory_space<semaphore_mem>>)
        %mul3A_83 = arith.constant 2048 : i32
        %mul3A_84 = arith.muli %add3A_35, %mul3A_83 : i32
        %add3A_85 = arith.addi %mul3A_2, %mul3A_84 : i32
        %dma_start3A_86 = tpu.memref_slice %arg3[%add3A_85] : memref<3276800xi32, #tpu.memory_space<hbm>> -> memref<2048xi32, #tpu.memory_space<hbm>>
        %dma_start3A_87 = tpu.memref_slice %arg3[%add3A_85] : memref<3276800xi32, #tpu.memory_space<hbm>> -> memref<2048xi32, #tpu.memory_space<hbm>>
        tpu.enqueue_dma source(%dma_start3A_87 : memref<2048xi32, #tpu.memory_space<hbm>>) target(%arg9 : memref<2048xi32, #tpu.memory_space<vmem>>) target_semaphore(%arg15 : memref<!tpu.dma_semaphore, #tpu.memory_space<semaphore_mem>>)
      } else {
      }
      %dma_wait3A = arith.constant 0 : i32
      %dma_wait3A_38 = tpu.memref_slice %arg2[%dma_wait3A] : memref<78643200xf32, #tpu.memory_space<hbm>> -> memref<49152xf32, #tpu.memory_space<hbm>>
      %dma_wait3A_39 = arith.constant 0 : i32
      %dma_wait3A_40 = tpu.memref_slice %arg2[%dma_wait3A_39] : memref<78643200xf32, #tpu.memory_space<hbm>> -> memref<49152xf32, #tpu.memory_space<hbm>>
      tpu.wait_dma2 semaphore(%arg12 : memref<!tpu.dma_semaphore, #tpu.memory_space<semaphore_mem>>) src(%dma_wait3A_40 : memref<49152xf32, #tpu.memory_space<hbm>>) dst(%arg6 : memref<49152xf32, #tpu.memory_space<vmem>>)
      %dma_wait3A_41 = arith.constant 0 : i32
      %dma_wait3A_42 = tpu.memref_slice %arg3[%dma_wait3A_41] : memref<3276800xi32, #tpu.memory_space<hbm>> -> memref<2048xi32, #tpu.memory_space<hbm>>
      %dma_wait3A_43 = arith.constant 0 : i32
      %dma_wait3A_44 = tpu.memref_slice %arg3[%dma_wait3A_43] : memref<3276800xi32, #tpu.memory_space<hbm>> -> memref<2048xi32, #tpu.memory_space<hbm>>
      tpu.wait_dma2 semaphore(%arg14 : memref<!tpu.dma_semaphore, #tpu.memory_space<semaphore_mem>>) src(%dma_wait3A_44 : memref<2048xi32, #tpu.memory_space<hbm>>) dst(%arg8 : memref<2048xi32, #tpu.memory_space<vmem>>)
      %scan3A_45 = arith.constant 0 : i32
      %scan3A_46 = arith.constant 128 : i32
      %scan3A_47 = arith.addi %scan3A_45, %scan3A_46 : i32
      %scan3A_48 = arith.constant 1 : i32
      %scan3A_49:4 = scf.for %scan3A_76 = %scan3A_45 to %scan3A_47 step %scan3A_48 iter_args(%scan3A_77 = %scan3A_26, %scan3A_78 = %scan3A_27, %scan3A_79 = %scan3A_28, %scan3A_80 = %scan3A_29) -> (vector<16xf32>, vector<16xf32>, vector<16xf32>, vector<16xf32>)  : i32 {
        %mul3A_81 = arith.constant 16 : i32
        %mul3A_82 = arith.muli %scan3A_76, %mul3A_81 : i32
        %get3A = arith.index_cast %mul3A_82 : i32 to index
        %get3A_83 = tpu.vector_load %arg8[%get3A] {strides = array<i32>} : memref<2048xi32, #tpu.memory_space<vmem>>, vector<16xi32>,
        %mul3A_84 = arith.constant 24 : i32
        %mul3A_85 = vector.broadcast %mul3A_84 : i32 to vector<16xi32>
        %mul3A_86 = arith.muli %get3A_83, %mul3A_85 : vector<16xi32>
        %mul3A_87 = arith.constant 384 : i32
        %mul3A_88 = arith.muli %scan3A_76, %mul3A_87 : i32
        %add3A_89 = vector.broadcast %mul3A_88 : i32 to vector<16xi32>
        %add3A_90 = arith.addi %mul3A_5, %add3A_89 : vector<16xi32>
        %add3A_91 = arith.constant 0 : i32
        %add3A_92 = vector.broadcast %add3A_91 : i32 to vector<16xi32>
        %add3A_93 = arith.addi %mul3A_86, %add3A_92 : vector<16xi32>
        %gather3A = tpu.vector_load_idx %arg10[%add3A_93] : memref<576xf32, #tpu.memory_space<vmem>>[vector<16xi32>], vector<16xf32>,
        %add3A_94 = arith.constant 0 : i32
        %add3A_95 = vector.broadcast %add3A_94 : i32 to vector<16xi32>
        %add3A_96 = arith.addi %add3A_90, %add3A_95 : vector<16xi32>
        %gather3A_97 = tpu.vector_load_idx %arg6[%add3A_96] : memref<49152xf32, #tpu.memory_space<vmem>>[vector<16xi32>], vector<16xf32>,
        %mul3A_98 = arith.mulf %gather3A, %gather3A_97 : vector<16xf32>
        %add3A_99 = arith.addf %scan3A_77, %mul3A_98 : vector<16xf32>
        %add3A_100 = arith.constant 1 : i32
        %add3A_101 = vector.broadcast %add3A_100 : i32 to vector<16xi32>
        %add3A_102 = arith.addi %mul3A_86, %add3A_101 : vector<16xi32>
        %gather3A_103 = tpu.vector_load_idx %arg10[%add3A_102] : memref<576xf32, #tpu.memory_space<vmem>>[vector<16xi32>], vector<16xf32>,
        %add3A_104 = arith.constant 1 : i32
        %add3A_105 = vector.broadcast %add3A_104 : i32 to vector<16xi32>
        %add3A_106 = arith.addi %add3A_90, %add3A_105 : vector<16xi32>
        %gather3A_107 = tpu.vector_load_idx %arg6[%add3A_106] : memref<49152xf32, #tpu.memory_space<vmem>>[vector<16xi32>], vector<16xf32>,
        %mul3A_108 = arith.mulf %gather3A_103, %gather3A_107 : vector<16xf32>
        %add3A_109 = arith.addf %scan3A_78, %mul3A_108 : vector<16xf32>
        %add3A_110 = arith.constant 2 : i32
        %add3A_111 = vector.broadcast %add3A_110 : i32 to vector<16xi32>
        %add3A_112 = arith.addi %mul3A_86, %add3A_111 : vector<16xi32>
        %gather3A_113 = tpu.vector_load_idx %arg10[%add3A_112] : memref<576xf32, #tpu.memory_space<vmem>>[vector<16xi32>], vector<16xf32>,
        %add3A_114 = arith.constant 2 : i32
        %add3A_115 = vector.broadcast %add3A_114 : i32 to vector<16xi32>
        %add3A_116 = arith.addi %add3A_90, %add3A_115 : vector<16xi32>
        %gather3A_117 = tpu.vector_load_idx %arg6[%add3A_116] : memref<49152xf32, #tpu.memory_space<vmem>>[vector<16xi32>], vector<16xf32>,
        %mul3A_118 = arith.mulf %gather3A_113, %gather3A_117 : vector<16xf32>
        %add3A_119 = arith.addf %scan3A_79, %mul3A_118 : vector<16xf32>
        %add3A_120 = arith.constant 3 : i32
        %add3A_121 = vector.broadcast %add3A_120 : i32 to vector<16xi32>
        %add3A_122 = arith.addi %mul3A_86, %add3A_121 : vector<16xi32>
        %gather3A_123 = tpu.vector_load_idx %arg10[%add3A_122] : memref<576xf32, #tpu.memory_space<vmem>>[vector<16xi32>], vector<16xf32>,
        %add3A_124 = arith.constant 3 : i32
        %add3A_125 = vector.broadcast %add3A_124 : i32 to vector<16xi32>
        %add3A_126 = arith.addi %add3A_90, %add3A_125 : vector<16xi32>
        %gather3A_127 = tpu.vector_load_idx %arg6[%add3A_126] : memref<49152xf32, #tpu.memory_space<vmem>>[vector<16xi32>], vector<16xf32>,
        %mul3A_128 = arith.mulf %gather3A_123, %gather3A_127 : vector<16xf32>
        %add3A_129 = arith.addf %scan3A_80, %mul3A_128 : vector<16xf32>
        %add3A_130 = arith.constant 4 : i32
        %add3A_131 = vector.broadcast %add3A_130 : i32 to vector<16xi32>
        %add3A_132 = arith.addi %mul3A_86, %add3A_131 : vector<16xi32>
        %gather3A_133 = tpu.vector_load_idx %arg10[%add3A_132] : memref<576xf32, #tpu.memory_space<vmem>>[vector<16xi32>], vector<16xf32>,
        %add3A_134 = arith.constant 4 : i32
        %add3A_135 = vector.broadcast %add3A_134 : i32 to vector<16xi32>
        %add3A_136 = arith.addi %add3A_90, %add3A_135 : vector<16xi32>
        %gather3A_137 = tpu.vector_load_idx %arg6[%add3A_136] : memref<49152xf32, #tpu.memory_space<vmem>>[vector<16xi32>], vector<16xf32>,
        %mul3A_138 = arith.mulf %gather3A_133, %gather3A_137 : vector<16xf32>
        %add3A_139 = arith.addf %add3A_99, %mul3A_138 : vector<16xf32>
        %add3A_140 = arith.constant 5 : i32
        %add3A_141 = vector.broadcast %add3A_140 : i32 to vector<16xi32>
        %add3A_142 = arith.addi %mul3A_86, %add3A_141 : vector<16xi32>
        %gather3A_143 = tpu.vector_load_idx %arg10[%add3A_142] : memref<576xf32, #tpu.memory_space<vmem>>[vector<16xi32>], vector<16xf32>,
        %add3A_144 = arith.constant 5 : i32
        %add3A_145 = vector.broadcast %add3A_144 : i32 to vector<16xi32>
        %add3A_146 = arith.addi %add3A_90, %add3A_145 : vector<16xi32>
        %gather3A_147 = tpu.vector_load_idx %arg6[%add3A_146] : memref<49152xf32, #tpu.memory_space<vmem>>[vector<16xi32>], vector<16xf32>,
        %mul3A_148 = arith.mulf %gather3A_143, %gather3A_147 : vector<16xf32>
        %add3A_149 = arith.addf %add3A_109, %mul3A_148 : vector<16xf32>
        %add3A_150 = arith.constant 6 : i32
        %add3A_151 = vector.broadcast %add3A_150 : i32 to vector<16xi32>
        %add3A_152 = arith.addi %mul3A_86, %add3A_151 : vector<16xi32>
        %gather3A_153 = tpu.vector_load_idx %arg10[%add3A_152] : memref<576xf32, #tpu.memory_space<vmem>>[vector<16xi32>], vector<16xf32>,
        %add3A_154 = arith.constant 6 : i32
        %add3A_155 = vector.broadcast %add3A_154 : i32 to vector<16xi32>
        %add3A_156 = arith.addi %add3A_90, %add3A_155 : vector<16xi32>
        %gather3A_157 = tpu.vector_load_idx %arg6[%add3A_156] : memref<49152xf32, #tpu.memory_space<vmem>>[vector<16xi32>], vector<16xf32>,
        %mul3A_158 = arith.mulf %gather3A_153, %gather3A_157 : vector<16xf32>
        %add3A_159 = arith.addf %add3A_119, %mul3A_158 : vector<16xf32>
        %add3A_160 = arith.constant 7 : i32
        %add3A_161 = vector.broadcast %add3A_160 : i32 to vector<16xi32>
        %add3A_162 = arith.addi %mul3A_86, %add3A_161 : vector<16xi32>
        %gather3A_163 = tpu.vector_load_idx %arg10[%add3A_162] : memref<576xf32, #tpu.memory_space<vmem>>[vector<16xi32>], vector<16xf32>,
        %add3A_164 = arith.constant 7 : i32
        %add3A_165 = vector.broadcast %add3A_164 : i32 to vector<16xi32>
        %add3A_166 = arith.addi %add3A_90, %add3A_165 : vector<16xi32>
        %gather3A_167 = tpu.vector_load_idx %arg6[%add3A_166] : memref<49152xf32, #tpu.memory_space<vmem>>[vector<16xi32>], vector<16xf32>,
        %mul3A_168 = arith.mulf %gather3A_163, %gather3A_167 : vector<16xf32>
        %add3A_169 = arith.addf %add3A_129, %mul3A_168 : vector<16xf32>
        %add3A_170 = arith.constant 8 : i32
        %add3A_171 = vector.broadcast %add3A_170 : i32 to vector<16xi32>
        %add3A_172 = arith.addi %mul3A_86, %add3A_171 : vector<16xi32>
        %gather3A_173 = tpu.vector_load_idx %arg10[%add3A_172] : memref<576xf32, #tpu.memory_space<vmem>>[vector<16xi32>], vector<16xf32>,
        %add3A_174 = arith.constant 8 : i32
        %add3A_175 = vector.broadcast %add3A_174 : i32 to vector<16xi32>
        %add3A_176 = arith.addi %add3A_90, %add3A_175 : vector<16xi32>
        %gather3A_177 = tpu.vector_load_idx %arg6[%add3A_176] : memref<49152xf32, #tpu.memory_space<vmem>>[vector<16xi32>], vector<16xf32>,
        %mul3A_178 = arith.mulf %gather3A_173, %gather3A_177 : vector<16xf32>
        %add3A_179 = arith.addf %add3A_139, %mul3A_178 : vector<16xf32>
        %add3A_180 = arith.constant 9 : i32
        %add3A_181 = vector.broadcast %add3A_180 : i32 to vector<16xi32>
        %add3A_182 = arith.addi %mul3A_86, %add3A_181 : vector<16xi32>
        %gather3A_183 = tpu.vector_load_idx %arg10[%add3A_182] : memref<576xf32, #tpu.memory_space<vmem>>[vector<16xi32>], vector<16xf32>,
        %add3A_184 = arith.constant 9 : i32
        %add3A_185 = vector.broadcast %add3A_184 : i32 to vector<16xi32>
        %add3A_186 = arith.addi %add3A_90, %add3A_185 : vector<16xi32>
        %gather3A_187 = tpu.vector_load_idx %arg6[%add3A_186] : memref<49152xf32, #tpu.memory_space<vmem>>[vector<16xi32>], vector<16xf32>,
        %mul3A_188 = arith.mulf %gather3A_183, %gather3A_187 : vector<16xf32>
        %add3A_189 = arith.addf %add3A_149, %mul3A_188 : vector<16xf32>
        %add3A_190 = arith.constant 10 : i32
        %add3A_191 = vector.broadcast %add3A_190 : i32 to vector<16xi32>
        %add3A_192 = arith.addi %mul3A_86, %add3A_191 : vector<16xi32>
        %gather3A_193 = tpu.vector_load_idx %arg10[%add3A_192] : memref<576xf32, #tpu.memory_space<vmem>>[vector<16xi32>], vector<16xf32>,
        %add3A_194 = arith.constant 10 : i32
        %add3A_195 = vector.broadcast %add3A_194 : i32 to vector<16xi32>
        %add3A_196 = arith.addi %add3A_90, %add3A_195 : vector<16xi32>
        %gather3A_197 = tpu.vector_load_idx %arg6[%add3A_196] : memref<49152xf32, #tpu.memory_space<vmem>>[vector<16xi32>], vector<16xf32>,
        %mul3A_198 = arith.mulf %gather3A_193, %gather3A_197 : vector<16xf32>
        %add3A_199 = arith.addf %add3A_159, %mul3A_198 : vector<16xf32>
        %add3A_200 = arith.constant 11 : i32
        %add3A_201 = vector.broadcast %add3A_200 : i32 to vector<16xi32>
        %add3A_202 = arith.addi %mul3A_86, %add3A_201 : vector<16xi32>
        %gather3A_203 = tpu.vector_load_idx %arg10[%add3A_202] : memref<576xf32, #tpu.memory_space<vmem>>[vector<16xi32>], vector<16xf32>,
        %add3A_204 = arith.constant 11 : i32
        %add3A_205 = vector.broadcast %add3A_204 : i32 to vector<16xi32>
        %add3A_206 = arith.addi %add3A_90, %add3A_205 : vector<16xi32>
        %gather3A_207 = tpu.vector_load_idx %arg6[%add3A_206] : memref<49152xf32, #tpu.memory_space<vmem>>[vector<16xi32>], vector<16xf32>,
        %mul3A_208 = arith.mulf %gather3A_203, %gather3A_207 : vector<16xf32>
        %add3A_209 = arith.addf %add3A_169, %mul3A_208 : vector<16xf32>
        %add3A_210 = arith.constant 12 : i32
        %add3A_211 = vector.broadcast %add3A_210 : i32 to vector<16xi32>
        %add3A_212 = arith.addi %mul3A_86, %add3A_211 : vector<16xi32>
        %gather3A_213 = tpu.vector_load_idx %arg10[%add3A_212] : memref<576xf32, #tpu.memory_space<vmem>>[vector<16xi32>], vector<16xf32>,
        %add3A_214 = arith.constant 12 : i32
        %add3A_215 = vector.broadcast %add3A_214 : i32 to vector<16xi32>
        %add3A_216 = arith.addi %add3A_90, %add3A_215 : vector<16xi32>
        %gather3A_217 = tpu.vector_load_idx %arg6[%add3A_216] : memref<49152xf32, #tpu.memory_space<vmem>>[vector<16xi32>], vector<16xf32>,
        %mul3A_218 = arith.mulf %gather3A_213, %gather3A_217 : vector<16xf32>
        %add3A_219 = arith.addf %add3A_179, %mul3A_218 : vector<16xf32>
        %add3A_220 = arith.constant 13 : i32
        %add3A_221 = vector.broadcast %add3A_220 : i32 to vector<16xi32>
        %add3A_222 = arith.addi %mul3A_86, %add3A_221 : vector<16xi32>
        %gather3A_223 = tpu.vector_load_idx %arg10[%add3A_222] : memref<576xf32, #tpu.memory_space<vmem>>[vector<16xi32>], vector<16xf32>,
        %add3A_224 = arith.constant 13 : i32
        %add3A_225 = vector.broadcast %add3A_224 : i32 to vector<16xi32>
        %add3A_226 = arith.addi %add3A_90, %add3A_225 : vector<16xi32>
        %gather3A_227 = tpu.vector_load_idx %arg6[%add3A_226] : memref<49152xf32, #tpu.memory_space<vmem>>[vector<16xi32>], vector<16xf32>,
        %mul3A_228 = arith.mulf %gather3A_223, %gather3A_227 : vector<16xf32>
        %add3A_229 = arith.addf %add3A_189, %mul3A_228 : vector<16xf32>
        %add3A_230 = arith.constant 14 : i32
        %add3A_231 = vector.broadcast %add3A_230 : i32 to vector<16xi32>
        %add3A_232 = arith.addi %mul3A_86, %add3A_231 : vector<16xi32>
        %gather3A_233 = tpu.vector_load_idx %arg10[%add3A_232] : memref<576xf32, #tpu.memory_space<vmem>>[vector<16xi32>], vector<16xf32>,
        %add3A_234 = arith.constant 14 : i32
        %add3A_235 = vector.broadcast %add3A_234 : i32 to vector<16xi32>
        %add3A_236 = arith.addi %add3A_90, %add3A_235 : vector<16xi32>
        %gather3A_237 = tpu.vector_load_idx %arg6[%add3A_236] : memref<49152xf32, #tpu.memory_space<vmem>>[vector<16xi32>], vector<16xf32>,
        %mul3A_238 = arith.mulf %gather3A_233, %gather3A_237 : vector<16xf32>
        %add3A_239 = arith.addf %add3A_199, %mul3A_238 : vector<16xf32>
        %add3A_240 = arith.constant 15 : i32
        %add3A_241 = vector.broadcast %add3A_240 : i32 to vector<16xi32>
        %add3A_242 = arith.addi %mul3A_86, %add3A_241 : vector<16xi32>
        %gather3A_243 = tpu.vector_load_idx %arg10[%add3A_242] : memref<576xf32, #tpu.memory_space<vmem>>[vector<16xi32>], vector<16xf32>,
        %add3A_244 = arith.constant 15 : i32
        %add3A_245 = vector.broadcast %add3A_244 : i32 to vector<16xi32>
        %add3A_246 = arith.addi %add3A_90, %add3A_245 : vector<16xi32>
        %gather3A_247 = tpu.vector_load_idx %arg6[%add3A_246] : memref<49152xf32, #tpu.memory_space<vmem>>[vector<16xi32>], vector<16xf32>,
        %mul3A_248 = arith.mulf %gather3A_243, %gather3A_247 : vector<16xf32>
        %add3A_249 = arith.addf %add3A_209, %mul3A_248 : vector<16xf32>
        %add3A_250 = arith.constant 16 : i32
        %add3A_251 = vector.broadcast %add3A_250 : i32 to vector<16xi32>
        %add3A_252 = arith.addi %mul3A_86, %add3A_251 : vector<16xi32>
        %gather3A_253 = tpu.vector_load_idx %arg10[%add3A_252] : memref<576xf32, #tpu.memory_space<vmem>>[vector<16xi32>], vector<16xf32>,
        %add3A_254 = arith.constant 16 : i32
        %add3A_255 = vector.broadcast %add3A_254 : i32 to vector<16xi32>
        %add3A_256 = arith.addi %add3A_90, %add3A_255 : vector<16xi32>
        %gather3A_257 = tpu.vector_load_idx %arg6[%add3A_256] : memref<49152xf32, #tpu.memory_space<vmem>>[vector<16xi32>], vector<16xf32>,
        %mul3A_258 = arith.mulf %gather3A_253, %gather3A_257 : vector<16xf32>
        %add3A_259 = arith.addf %add3A_219, %mul3A_258 : vector<16xf32>
        %add3A_260 = arith.constant 17 : i32
        %add3A_261 = vector.broadcast %add3A_260 : i32 to vector<16xi32>
        %add3A_262 = arith.addi %mul3A_86, %add3A_261 : vector<16xi32>
        %gather3A_263 = tpu.vector_load_idx %arg10[%add3A_262] : memref<576xf32, #tpu.memory_space<vmem>>[vector<16xi32>], vector<16xf32>,
        %add3A_264 = arith.constant 17 : i32
        %add3A_265 = vector.broadcast %add3A_264 : i32 to vector<16xi32>
        %add3A_266 = arith.addi %add3A_90, %add3A_265 : vector<16xi32>
        %gather3A_267 = tpu.vector_load_idx %arg6[%add3A_266] : memref<49152xf32, #tpu.memory_space<vmem>>[vector<16xi32>], vector<16xf32>,
        %mul3A_268 = arith.mulf %gather3A_263, %gather3A_267 : vector<16xf32>
        %add3A_269 = arith.addf %add3A_229, %mul3A_268 : vector<16xf32>
        %add3A_270 = arith.constant 18 : i32
        %add3A_271 = vector.broadcast %add3A_270 : i32 to vector<16xi32>
        %add3A_272 = arith.addi %mul3A_86, %add3A_271 : vector<16xi32>
        %gather3A_273 = tpu.vector_load_idx %arg10[%add3A_272] : memref<576xf32, #tpu.memory_space<vmem>>[vector<16xi32>], vector<16xf32>,
        %add3A_274 = arith.constant 18 : i32
        %add3A_275 = vector.broadcast %add3A_274 : i32 to vector<16xi32>
        %add3A_276 = arith.addi %add3A_90, %add3A_275 : vector<16xi32>
        %gather3A_277 = tpu.vector_load_idx %arg6[%add3A_276] : memref<49152xf32, #tpu.memory_space<vmem>>[vector<16xi32>], vector<16xf32>,
        %mul3A_278 = arith.mulf %gather3A_273, %gather3A_277 : vector<16xf32>
        %add3A_279 = arith.addf %add3A_239, %mul3A_278 : vector<16xf32>
        %add3A_280 = arith.constant 19 : i32
        %add3A_281 = vector.broadcast %add3A_280 : i32 to vector<16xi32>
        %add3A_282 = arith.addi %mul3A_86, %add3A_281 : vector<16xi32>
        %gather3A_283 = tpu.vector_load_idx %arg10[%add3A_282] : memref<576xf32, #tpu.memory_space<vmem>>[vector<16xi32>], vector<16xf32>,
        %add3A_284 = arith.constant 19 : i32
        %add3A_285 = vector.broadcast %add3A_284 : i32 to vector<16xi32>
        %add3A_286 = arith.addi %add3A_90, %add3A_285 : vector<16xi32>
        %gather3A_287 = tpu.vector_load_idx %arg6[%add3A_286] : memref<49152xf32, #tpu.memory_space<vmem>>[vector<16xi32>], vector<16xf32>,
        %mul3A_288 = arith.mulf %gather3A_283, %gather3A_287 : vector<16xf32>
        %add3A_289 = arith.addf %add3A_249, %mul3A_288 : vector<16xf32>
        %add3A_290 = arith.constant 20 : i32
        %add3A_291 = vector.broadcast %add3A_290 : i32 to vector<16xi32>
        %add3A_292 = arith.addi %mul3A_86, %add3A_291 : vector<16xi32>
        %gather3A_293 = tpu.vector_load_idx %arg10[%add3A_292] : memref<576xf32, #tpu.memory_space<vmem>>[vector<16xi32>], vector<16xf32>,
        %add3A_294 = arith.constant 20 : i32
        %add3A_295 = vector.broadcast %add3A_294 : i32 to vector<16xi32>
        %add3A_296 = arith.addi %add3A_90, %add3A_295 : vector<16xi32>
        %gather3A_297 = tpu.vector_load_idx %arg6[%add3A_296] : memref<49152xf32, #tpu.memory_space<vmem>>[vector<16xi32>], vector<16xf32>,
        %mul3A_298 = arith.mulf %gather3A_293, %gather3A_297 : vector<16xf32>
        %add3A_299 = arith.addf %add3A_259, %mul3A_298 : vector<16xf32>
        %add3A_300 = arith.constant 21 : i32
        %add3A_301 = vector.broadcast %add3A_300 : i32 to vector<16xi32>
        %add3A_302 = arith.addi %mul3A_86, %add3A_301 : vector<16xi32>
        %gather3A_303 = tpu.vector_load_idx %arg10[%add3A_302] : memref<576xf32, #tpu.memory_space<vmem>>[vector<16xi32>], vector<16xf32>,
        %add3A_304 = arith.constant 21 : i32
        %add3A_305 = vector.broadcast %add3A_304 : i32 to vector<16xi32>
        %add3A_306 = arith.addi %add3A_90, %add3A_305 : vector<16xi32>
        %gather3A_307 = tpu.vector_load_idx %arg6[%add3A_306] : memref<49152xf32, #tpu.memory_space<vmem>>[vector<16xi32>], vector<16xf32>,
        %mul3A_308 = arith.mulf %gather3A_303, %gather3A_307 : vector<16xf32>
        %add3A_309 = arith.addf %add3A_269, %mul3A_308 : vector<16xf32>
        %add3A_310 = arith.constant 22 : i32
        %add3A_311 = vector.broadcast %add3A_310 : i32 to vector<16xi32>
        %add3A_312 = arith.addi %mul3A_86, %add3A_311 : vector<16xi32>
        %gather3A_313 = tpu.vector_load_idx %arg10[%add3A_312] : memref<576xf32, #tpu.memory_space<vmem>>[vector<16xi32>], vector<16xf32>,
        %add3A_314 = arith.constant 22 : i32
        %add3A_315 = vector.broadcast %add3A_314 : i32 to vector<16xi32>
        %add3A_316 = arith.addi %add3A_90, %add3A_315 : vector<16xi32>
        %gather3A_317 = tpu.vector_load_idx %arg6[%add3A_316] : memref<49152xf32, #tpu.memory_space<vmem>>[vector<16xi32>], vector<16xf32>,
        %mul3A_318 = arith.mulf %gather3A_313, %gather3A_317 : vector<16xf32>
        %add3A_319 = arith.addf %add3A_279, %mul3A_318 : vector<16xf32>
        %add3A_320 = arith.constant 23 : i32
        %add3A_321 = vector.broadcast %add3A_320 : i32 to vector<16xi32>
        %add3A_322 = arith.addi %mul3A_86, %add3A_321 : vector<16xi32>
        %gather3A_323 = tpu.vector_load_idx %arg10[%add3A_322] : memref<576xf32, #tpu.memory_space<vmem>>[vector<16xi32>], vector<16xf32>,
        %add3A_324 = arith.constant 23 : i32
        %add3A_325 = vector.broadcast %add3A_324 : i32 to vector<16xi32>
        %add3A_326 = arith.addi %add3A_90, %add3A_325 : vector<16xi32>
        %gather3A_327 = tpu.vector_load_idx %arg6[%add3A_326] : memref<49152xf32, #tpu.memory_space<vmem>>[vector<16xi32>], vector<16xf32>,
        %mul3A_328 = arith.mulf %gather3A_323, %gather3A_327 : vector<16xf32>
        %add3A_329 = arith.addf %add3A_289, %mul3A_328 : vector<16xf32>
        scf.yield %add3A_299, %add3A_309, %add3A_319, %add3A_329 : vector<16xf32>, vector<16xf32>, vector<16xf32>, vector<16xf32>
      }
      %scan3A_50 = arith.constant 128 : i32
      %mul3A_51 = arith.constant 2 : i32
      %mul3A_52 = arith.muli %scan3A_25, %mul3A_51 : i32
      %add3A_53 = arith.constant 1 : i32
      %add3A_54 = arith.addi %mul3A_52, %add3A_53 : i32
      %add3A_55 = arith.constant 1 : i32
      %add3A_56 = arith.addi %add3A_54, %add3A_55 : i32
      %lt3A_57 = arith.constant 50 : i32
      %lt3A_58 = arith.cmpi slt, %add3A_56, %lt3A_57 : i32
      %convert_element_type3A_59 = arith.extui %lt3A_58 : i1 to i32
      %cond3A_60 = arith.constant 0 : i32
      %cond3A_61 = arith.cmpi ne, %convert_element_type3A_59, %cond3A_60 : i32
      scf.if %cond3A_61 {
        %mul3A_76 = arith.constant 2048 : i32
        %mul3A_77 = arith.muli %add3A_56, %mul3A_76 : i32
        %add3A_78 = arith.addi %mul3A_2, %mul3A_77 : i32
        %mul3A_79 = arith.constant 24 : i32
        %mul3A_80 = arith.muli %add3A_78, %mul3A_79 : i32
        %dma_start3A_81 = tpu.memref_slice %arg2[%mul3A_80] : memref<78643200xf32, #tpu.memory_space<hbm>> -> memref<49152xf32, #tpu.memory_space<hbm>>
        %dma_start3A_82 = tpu.memref_slice %arg2[%mul3A_80] : memref<78643200xf32, #tpu.memory_space<hbm>> -> memref<49152xf32, #tpu.memory_space<hbm>>
        tpu.enqueue_dma source(%dma_start3A_82 : memref<49152xf32, #tpu.memory_space<hbm>>) target(%arg6 : memref<49152xf32, #tpu.memory_space<vmem>>) target_semaphore(%arg12 : memref<!tpu.dma_semaphore, #tpu.memory_space<semaphore_mem>>)
        %mul3A_83 = arith.constant 2048 : i32
        %mul3A_84 = arith.muli %add3A_56, %mul3A_83 : i32
        %add3A_85 = arith.addi %mul3A_2, %mul3A_84 : i32
        %dma_start3A_86 = tpu.memref_slice %arg3[%add3A_85] : memref<3276800xi32, #tpu.memory_space<hbm>> -> memref<2048xi32, #tpu.memory_space<hbm>>
        %dma_start3A_87 = tpu.memref_slice %arg3[%add3A_85] : memref<3276800xi32, #tpu.memory_space<hbm>> -> memref<2048xi32, #tpu.memory_space<hbm>>
        tpu.enqueue_dma source(%dma_start3A_87 : memref<2048xi32, #tpu.memory_space<hbm>>) target(%arg8 : memref<2048xi32, #tpu.memory_space<vmem>>) target_semaphore(%arg14 : memref<!tpu.dma_semaphore, #tpu.memory_space<semaphore_mem>>)
      } else {
      }
      %dma_wait3A_62 = arith.constant 0 : i32
      %dma_wait3A_63 = tpu.memref_slice %arg2[%dma_wait3A_62] : memref<78643200xf32, #tpu.memory_space<hbm>> -> memref<49152xf32, #tpu.memory_space<hbm>>
      %dma_wait3A_64 = arith.constant 0 : i32
      %dma_wait3A_65 = tpu.memref_slice %arg2[%dma_wait3A_64] : memref<78643200xf32, #tpu.memory_space<hbm>> -> memref<49152xf32, #tpu.memory_space<hbm>>
      tpu.wait_dma2 semaphore(%arg13 : memref<!tpu.dma_semaphore, #tpu.memory_space<semaphore_mem>>) src(%dma_wait3A_65 : memref<49152xf32, #tpu.memory_space<hbm>>) dst(%arg7 : memref<49152xf32, #tpu.memory_space<vmem>>)
      %dma_wait3A_66 = arith.constant 0 : i32
      %dma_wait3A_67 = tpu.memref_slice %arg3[%dma_wait3A_66] : memref<3276800xi32, #tpu.memory_space<hbm>> -> memref<2048xi32, #tpu.memory_space<hbm>>
      %dma_wait3A_68 = arith.constant 0 : i32
      %dma_wait3A_69 = tpu.memref_slice %arg3[%dma_wait3A_68] : memref<3276800xi32, #tpu.memory_space<hbm>> -> memref<2048xi32, #tpu.memory_space<hbm>>
      tpu.wait_dma2 semaphore(%arg15 : memref<!tpu.dma_semaphore, #tpu.memory_space<semaphore_mem>>) src(%dma_wait3A_69 : memref<2048xi32, #tpu.memory_space<hbm>>) dst(%arg9 : memref<2048xi32, #tpu.memory_space<vmem>>)
      %scan3A_70 = arith.constant 0 : i32
      %scan3A_71 = arith.constant 128 : i32
      %scan3A_72 = arith.addi %scan3A_70, %scan3A_71 : i32
      %scan3A_73 = arith.constant 1 : i32
      %scan3A_74:4 = scf.for %scan3A_76 = %scan3A_70 to %scan3A_72 step %scan3A_73 iter_args(%scan3A_77 = %scan3A_49#0, %scan3A_78 = %scan3A_49#1, %scan3A_79 = %scan3A_49#2, %scan3A_80 = %scan3A_49#3) -> (vector<16xf32>, vector<16xf32>, vector<16xf32>, vector<16xf32>)  : i32 {
        %mul3A_81 = arith.constant 16 : i32
        %mul3A_82 = arith.muli %scan3A_76, %mul3A_81 : i32
        %get3A = arith.index_cast %mul3A_82 : i32 to index
        %get3A_83 = tpu.vector_load %arg9[%get3A] {strides = array<i32>} : memref<2048xi32, #tpu.memory_space<vmem>>, vector<16xi32>,
        %mul3A_84 = arith.constant 24 : i32
        %mul3A_85 = vector.broadcast %mul3A_84 : i32 to vector<16xi32>
        %mul3A_86 = arith.muli %get3A_83, %mul3A_85 : vector<16xi32>
        %mul3A_87 = arith.constant 384 : i32
        %mul3A_88 = arith.muli %scan3A_76, %mul3A_87 : i32
        %add3A_89 = vector.broadcast %mul3A_88 : i32 to vector<16xi32>
        %add3A_90 = arith.addi %mul3A_5, %add3A_89 : vector<16xi32>
        %add3A_91 = arith.constant 0 : i32
        %add3A_92 = vector.broadcast %add3A_91 : i32 to vector<16xi32>
        %add3A_93 = arith.addi %mul3A_86, %add3A_92 : vector<16xi32>
        %gather3A = tpu.vector_load_idx %arg10[%add3A_93] : memref<576xf32, #tpu.memory_space<vmem>>[vector<16xi32>], vector<16xf32>,
        %add3A_94 = arith.constant 0 : i32
        %add3A_95 = vector.broadcast %add3A_94 : i32 to vector<16xi32>
        %add3A_96 = arith.addi %add3A_90, %add3A_95 : vector<16xi32>
        %gather3A_97 = tpu.vector_load_idx %arg7[%add3A_96] : memref<49152xf32, #tpu.memory_space<vmem>>[vector<16xi32>], vector<16xf32>,
        %mul3A_98 = arith.mulf %gather3A, %gather3A_97 : vector<16xf32>
        %add3A_99 = arith.addf %scan3A_77, %mul3A_98 : vector<16xf32>
        %add3A_100 = arith.constant 1 : i32
        %add3A_101 = vector.broadcast %add3A_100 : i32 to vector<16xi32>
        %add3A_102 = arith.addi %mul3A_86, %add3A_101 : vector<16xi32>
        %gather3A_103 = tpu.vector_load_idx %arg10[%add3A_102] : memref<576xf32, #tpu.memory_space<vmem>>[vector<16xi32>], vector<16xf32>,
        %add3A_104 = arith.constant 1 : i32
        %add3A_105 = vector.broadcast %add3A_104 : i32 to vector<16xi32>
        %add3A_106 = arith.addi %add3A_90, %add3A_105 : vector<16xi32>
        %gather3A_107 = tpu.vector_load_idx %arg7[%add3A_106] : memref<49152xf32, #tpu.memory_space<vmem>>[vector<16xi32>], vector<16xf32>,
        %mul3A_108 = arith.mulf %gather3A_103, %gather3A_107 : vector<16xf32>
        %add3A_109 = arith.addf %scan3A_78, %mul3A_108 : vector<16xf32>
        %add3A_110 = arith.constant 2 : i32
        %add3A_111 = vector.broadcast %add3A_110 : i32 to vector<16xi32>
        %add3A_112 = arith.addi %mul3A_86, %add3A_111 : vector<16xi32>
        %gather3A_113 = tpu.vector_load_idx %arg10[%add3A_112] : memref<576xf32, #tpu.memory_space<vmem>>[vector<16xi32>], vector<16xf32>,
        %add3A_114 = arith.constant 2 : i32
        %add3A_115 = vector.broadcast %add3A_114 : i32 to vector<16xi32>
        %add3A_116 = arith.addi %add3A_90, %add3A_115 : vector<16xi32>
        %gather3A_117 = tpu.vector_load_idx %arg7[%add3A_116] : memref<49152xf32, #tpu.memory_space<vmem>>[vector<16xi32>], vector<16xf32>,
        %mul3A_118 = arith.mulf %gather3A_113, %gather3A_117 : vector<16xf32>
        %add3A_119 = arith.addf %scan3A_79, %mul3A_118 : vector<16xf32>
        %add3A_120 = arith.constant 3 : i32
        %add3A_121 = vector.broadcast %add3A_120 : i32 to vector<16xi32>
        %add3A_122 = arith.addi %mul3A_86, %add3A_121 : vector<16xi32>
        %gather3A_123 = tpu.vector_load_idx %arg10[%add3A_122] : memref<576xf32, #tpu.memory_space<vmem>>[vector<16xi32>], vector<16xf32>,
        %add3A_124 = arith.constant 3 : i32
        %add3A_125 = vector.broadcast %add3A_124 : i32 to vector<16xi32>
        %add3A_126 = arith.addi %add3A_90, %add3A_125 : vector<16xi32>
        %gather3A_127 = tpu.vector_load_idx %arg7[%add3A_126] : memref<49152xf32, #tpu.memory_space<vmem>>[vector<16xi32>], vector<16xf32>,
        %mul3A_128 = arith.mulf %gather3A_123, %gather3A_127 : vector<16xf32>
        %add3A_129 = arith.addf %scan3A_80, %mul3A_128 : vector<16xf32>
        %add3A_130 = arith.constant 4 : i32
        %add3A_131 = vector.broadcast %add3A_130 : i32 to vector<16xi32>
        %add3A_132 = arith.addi %mul3A_86, %add3A_131 : vector<16xi32>
        %gather3A_133 = tpu.vector_load_idx %arg10[%add3A_132] : memref<576xf32, #tpu.memory_space<vmem>>[vector<16xi32>], vector<16xf32>,
        %add3A_134 = arith.constant 4 : i32
        %add3A_135 = vector.broadcast %add3A_134 : i32 to vector<16xi32>
        %add3A_136 = arith.addi %add3A_90, %add3A_135 : vector<16xi32>
        %gather3A_137 = tpu.vector_load_idx %arg7[%add3A_136] : memref<49152xf32, #tpu.memory_space<vmem>>[vector<16xi32>], vector<16xf32>,
        %mul3A_138 = arith.mulf %gather3A_133, %gather3A_137 : vector<16xf32>
        %add3A_139 = arith.addf %add3A_99, %mul3A_138 : vector<16xf32>
        %add3A_140 = arith.constant 5 : i32
        %add3A_141 = vector.broadcast %add3A_140 : i32 to vector<16xi32>
        %add3A_142 = arith.addi %mul3A_86, %add3A_141 : vector<16xi32>
        %gather3A_143 = tpu.vector_load_idx %arg10[%add3A_142] : memref<576xf32, #tpu.memory_space<vmem>>[vector<16xi32>], vector<16xf32>,
        %add3A_144 = arith.constant 5 : i32
        %add3A_145 = vector.broadcast %add3A_144 : i32 to vector<16xi32>
        %add3A_146 = arith.addi %add3A_90, %add3A_145 : vector<16xi32>
        %gather3A_147 = tpu.vector_load_idx %arg7[%add3A_146] : memref<49152xf32, #tpu.memory_space<vmem>>[vector<16xi32>], vector<16xf32>,
        %mul3A_148 = arith.mulf %gather3A_143, %gather3A_147 : vector<16xf32>
        %add3A_149 = arith.addf %add3A_109, %mul3A_148 : vector<16xf32>
        %add3A_150 = arith.constant 6 : i32
        %add3A_151 = vector.broadcast %add3A_150 : i32 to vector<16xi32>
        %add3A_152 = arith.addi %mul3A_86, %add3A_151 : vector<16xi32>
        %gather3A_153 = tpu.vector_load_idx %arg10[%add3A_152] : memref<576xf32, #tpu.memory_space<vmem>>[vector<16xi32>], vector<16xf32>,
        %add3A_154 = arith.constant 6 : i32
        %add3A_155 = vector.broadcast %add3A_154 : i32 to vector<16xi32>
        %add3A_156 = arith.addi %add3A_90, %add3A_155 : vector<16xi32>
        %gather3A_157 = tpu.vector_load_idx %arg7[%add3A_156] : memref<49152xf32, #tpu.memory_space<vmem>>[vector<16xi32>], vector<16xf32>,
        %mul3A_158 = arith.mulf %gather3A_153, %gather3A_157 : vector<16xf32>
        %add3A_159 = arith.addf %add3A_119, %mul3A_158 : vector<16xf32>
        %add3A_160 = arith.constant 7 : i32
        %add3A_161 = vector.broadcast %add3A_160 : i32 to vector<16xi32>
        %add3A_162 = arith.addi %mul3A_86, %add3A_161 : vector<16xi32>
        %gather3A_163 = tpu.vector_load_idx %arg10[%add3A_162] : memref<576xf32, #tpu.memory_space<vmem>>[vector<16xi32>], vector<16xf32>,
        %add3A_164 = arith.constant 7 : i32
        %add3A_165 = vector.broadcast %add3A_164 : i32 to vector<16xi32>
        %add3A_166 = arith.addi %add3A_90, %add3A_165 : vector<16xi32>
        %gather3A_167 = tpu.vector_load_idx %arg7[%add3A_166] : memref<49152xf32, #tpu.memory_space<vmem>>[vector<16xi32>], vector<16xf32>,
        %mul3A_168 = arith.mulf %gather3A_163, %gather3A_167 : vector<16xf32>
        %add3A_169 = arith.addf %add3A_129, %mul3A_168 : vector<16xf32>
        %add3A_170 = arith.constant 8 : i32
        %add3A_171 = vector.broadcast %add3A_170 : i32 to vector<16xi32>
        %add3A_172 = arith.addi %mul3A_86, %add3A_171 : vector<16xi32>
        %gather3A_173 = tpu.vector_load_idx %arg10[%add3A_172] : memref<576xf32, #tpu.memory_space<vmem>>[vector<16xi32>], vector<16xf32>,
        %add3A_174 = arith.constant 8 : i32
        %add3A_175 = vector.broadcast %add3A_174 : i32 to vector<16xi32>
        %add3A_176 = arith.addi %add3A_90, %add3A_175 : vector<16xi32>
        %gather3A_177 = tpu.vector_load_idx %arg7[%add3A_176] : memref<49152xf32, #tpu.memory_space<vmem>>[vector<16xi32>], vector<16xf32>,
        %mul3A_178 = arith.mulf %gather3A_173, %gather3A_177 : vector<16xf32>
        %add3A_179 = arith.addf %add3A_139, %mul3A_178 : vector<16xf32>
        %add3A_180 = arith.constant 9 : i32
        %add3A_181 = vector.broadcast %add3A_180 : i32 to vector<16xi32>
        %add3A_182 = arith.addi %mul3A_86, %add3A_181 : vector<16xi32>
        %gather3A_183 = tpu.vector_load_idx %arg10[%add3A_182] : memref<576xf32, #tpu.memory_space<vmem>>[vector<16xi32>], vector<16xf32>,
        %add3A_184 = arith.constant 9 : i32
        %add3A_185 = vector.broadcast %add3A_184 : i32 to vector<16xi32>
        %add3A_186 = arith.addi %add3A_90, %add3A_185 : vector<16xi32>
        %gather3A_187 = tpu.vector_load_idx %arg7[%add3A_186] : memref<49152xf32, #tpu.memory_space<vmem>>[vector<16xi32>], vector<16xf32>,
        %mul3A_188 = arith.mulf %gather3A_183, %gather3A_187 : vector<16xf32>
        %add3A_189 = arith.addf %add3A_149, %mul3A_188 : vector<16xf32>
        %add3A_190 = arith.constant 10 : i32
        %add3A_191 = vector.broadcast %add3A_190 : i32 to vector<16xi32>
        %add3A_192 = arith.addi %mul3A_86, %add3A_191 : vector<16xi32>
        %gather3A_193 = tpu.vector_load_idx %arg10[%add3A_192] : memref<576xf32, #tpu.memory_space<vmem>>[vector<16xi32>], vector<16xf32>,
        %add3A_194 = arith.constant 10 : i32
        %add3A_195 = vector.broadcast %add3A_194 : i32 to vector<16xi32>
        %add3A_196 = arith.addi %add3A_90, %add3A_195 : vector<16xi32>
        %gather3A_197 = tpu.vector_load_idx %arg7[%add3A_196] : memref<49152xf32, #tpu.memory_space<vmem>>[vector<16xi32>], vector<16xf32>,
        %mul3A_198 = arith.mulf %gather3A_193, %gather3A_197 : vector<16xf32>
        %add3A_199 = arith.addf %add3A_159, %mul3A_198 : vector<16xf32>
        %add3A_200 = arith.constant 11 : i32
        %add3A_201 = vector.broadcast %add3A_200 : i32 to vector<16xi32>
        %add3A_202 = arith.addi %mul3A_86, %add3A_201 : vector<16xi32>
        %gather3A_203 = tpu.vector_load_idx %arg10[%add3A_202] : memref<576xf32, #tpu.memory_space<vmem>>[vector<16xi32>], vector<16xf32>,
        %add3A_204 = arith.constant 11 : i32
        %add3A_205 = vector.broadcast %add3A_204 : i32 to vector<16xi32>
        %add3A_206 = arith.addi %add3A_90, %add3A_205 : vector<16xi32>
        %gather3A_207 = tpu.vector_load_idx %arg7[%add3A_206] : memref<49152xf32, #tpu.memory_space<vmem>>[vector<16xi32>], vector<16xf32>,
        %mul3A_208 = arith.mulf %gather3A_203, %gather3A_207 : vector<16xf32>
        %add3A_209 = arith.addf %add3A_169, %mul3A_208 : vector<16xf32>
        %add3A_210 = arith.constant 12 : i32
        %add3A_211 = vector.broadcast %add3A_210 : i32 to vector<16xi32>
        %add3A_212 = arith.addi %mul3A_86, %add3A_211 : vector<16xi32>
        %gather3A_213 = tpu.vector_load_idx %arg10[%add3A_212] : memref<576xf32, #tpu.memory_space<vmem>>[vector<16xi32>], vector<16xf32>,
        %add3A_214 = arith.constant 12 : i32
        %add3A_215 = vector.broadcast %add3A_214 : i32 to vector<16xi32>
        %add3A_216 = arith.addi %add3A_90, %add3A_215 : vector<16xi32>
        %gather3A_217 = tpu.vector_load_idx %arg7[%add3A_216] : memref<49152xf32, #tpu.memory_space<vmem>>[vector<16xi32>], vector<16xf32>,
        %mul3A_218 = arith.mulf %gather3A_213, %gather3A_217 : vector<16xf32>
        %add3A_219 = arith.addf %add3A_179, %mul3A_218 : vector<16xf32>
        %add3A_220 = arith.constant 13 : i32
        %add3A_221 = vector.broadcast %add3A_220 : i32 to vector<16xi32>
        %add3A_222 = arith.addi %mul3A_86, %add3A_221 : vector<16xi32>
        %gather3A_223 = tpu.vector_load_idx %arg10[%add3A_222] : memref<576xf32, #tpu.memory_space<vmem>>[vector<16xi32>], vector<16xf32>,
        %add3A_224 = arith.constant 13 : i32
        %add3A_225 = vector.broadcast %add3A_224 : i32 to vector<16xi32>
        %add3A_226 = arith.addi %add3A_90, %add3A_225 : vector<16xi32>
        %gather3A_227 = tpu.vector_load_idx %arg7[%add3A_226] : memref<49152xf32, #tpu.memory_space<vmem>>[vector<16xi32>], vector<16xf32>,
        %mul3A_228 = arith.mulf %gather3A_223, %gather3A_227 : vector<16xf32>
        %add3A_229 = arith.addf %add3A_189, %mul3A_228 : vector<16xf32>
        %add3A_230 = arith.constant 14 : i32
        %add3A_231 = vector.broadcast %add3A_230 : i32 to vector<16xi32>
        %add3A_232 = arith.addi %mul3A_86, %add3A_231 : vector<16xi32>
        %gather3A_233 = tpu.vector_load_idx %arg10[%add3A_232] : memref<576xf32, #tpu.memory_space<vmem>>[vector<16xi32>], vector<16xf32>,
        %add3A_234 = arith.constant 14 : i32
        %add3A_235 = vector.broadcast %add3A_234 : i32 to vector<16xi32>
        %add3A_236 = arith.addi %add3A_90, %add3A_235 : vector<16xi32>
        %gather3A_237 = tpu.vector_load_idx %arg7[%add3A_236] : memref<49152xf32, #tpu.memory_space<vmem>>[vector<16xi32>], vector<16xf32>,
        %mul3A_238 = arith.mulf %gather3A_233, %gather3A_237 : vector<16xf32>
        %add3A_239 = arith.addf %add3A_199, %mul3A_238 : vector<16xf32>
        %add3A_240 = arith.constant 15 : i32
        %add3A_241 = vector.broadcast %add3A_240 : i32 to vector<16xi32>
        %add3A_242 = arith.addi %mul3A_86, %add3A_241 : vector<16xi32>
        %gather3A_243 = tpu.vector_load_idx %arg10[%add3A_242] : memref<576xf32, #tpu.memory_space<vmem>>[vector<16xi32>], vector<16xf32>,
        %add3A_244 = arith.constant 15 : i32
        %add3A_245 = vector.broadcast %add3A_244 : i32 to vector<16xi32>
        %add3A_246 = arith.addi %add3A_90, %add3A_245 : vector<16xi32>
        %gather3A_247 = tpu.vector_load_idx %arg7[%add3A_246] : memref<49152xf32, #tpu.memory_space<vmem>>[vector<16xi32>], vector<16xf32>,
        %mul3A_248 = arith.mulf %gather3A_243, %gather3A_247 : vector<16xf32>
        %add3A_249 = arith.addf %add3A_209, %mul3A_248 : vector<16xf32>
        %add3A_250 = arith.constant 16 : i32
        %add3A_251 = vector.broadcast %add3A_250 : i32 to vector<16xi32>
        %add3A_252 = arith.addi %mul3A_86, %add3A_251 : vector<16xi32>
        %gather3A_253 = tpu.vector_load_idx %arg10[%add3A_252] : memref<576xf32, #tpu.memory_space<vmem>>[vector<16xi32>], vector<16xf32>,
        %add3A_254 = arith.constant 16 : i32
        %add3A_255 = vector.broadcast %add3A_254 : i32 to vector<16xi32>
        %add3A_256 = arith.addi %add3A_90, %add3A_255 : vector<16xi32>
        %gather3A_257 = tpu.vector_load_idx %arg7[%add3A_256] : memref<49152xf32, #tpu.memory_space<vmem>>[vector<16xi32>], vector<16xf32>,
        %mul3A_258 = arith.mulf %gather3A_253, %gather3A_257 : vector<16xf32>
        %add3A_259 = arith.addf %add3A_219, %mul3A_258 : vector<16xf32>
        %add3A_260 = arith.constant 17 : i32
        %add3A_261 = vector.broadcast %add3A_260 : i32 to vector<16xi32>
        %add3A_262 = arith.addi %mul3A_86, %add3A_261 : vector<16xi32>
        %gather3A_263 = tpu.vector_load_idx %arg10[%add3A_262] : memref<576xf32, #tpu.memory_space<vmem>>[vector<16xi32>], vector<16xf32>,
        %add3A_264 = arith.constant 17 : i32
        %add3A_265 = vector.broadcast %add3A_264 : i32 to vector<16xi32>
        %add3A_266 = arith.addi %add3A_90, %add3A_265 : vector<16xi32>
        %gather3A_267 = tpu.vector_load_idx %arg7[%add3A_266] : memref<49152xf32, #tpu.memory_space<vmem>>[vector<16xi32>], vector<16xf32>,
        %mul3A_268 = arith.mulf %gather3A_263, %gather3A_267 : vector<16xf32>
        %add3A_269 = arith.addf %add3A_229, %mul3A_268 : vector<16xf32>
        %add3A_270 = arith.constant 18 : i32
        %add3A_271 = vector.broadcast %add3A_270 : i32 to vector<16xi32>
        %add3A_272 = arith.addi %mul3A_86, %add3A_271 : vector<16xi32>
        %gather3A_273 = tpu.vector_load_idx %arg10[%add3A_272] : memref<576xf32, #tpu.memory_space<vmem>>[vector<16xi32>], vector<16xf32>,
        %add3A_274 = arith.constant 18 : i32
        %add3A_275 = vector.broadcast %add3A_274 : i32 to vector<16xi32>
        %add3A_276 = arith.addi %add3A_90, %add3A_275 : vector<16xi32>
        %gather3A_277 = tpu.vector_load_idx %arg7[%add3A_276] : memref<49152xf32, #tpu.memory_space<vmem>>[vector<16xi32>], vector<16xf32>,
        %mul3A_278 = arith.mulf %gather3A_273, %gather3A_277 : vector<16xf32>
        %add3A_279 = arith.addf %add3A_239, %mul3A_278 : vector<16xf32>
        %add3A_280 = arith.constant 19 : i32
        %add3A_281 = vector.broadcast %add3A_280 : i32 to vector<16xi32>
        %add3A_282 = arith.addi %mul3A_86, %add3A_281 : vector<16xi32>
        %gather3A_283 = tpu.vector_load_idx %arg10[%add3A_282] : memref<576xf32, #tpu.memory_space<vmem>>[vector<16xi32>], vector<16xf32>,
        %add3A_284 = arith.constant 19 : i32
        %add3A_285 = vector.broadcast %add3A_284 : i32 to vector<16xi32>
        %add3A_286 = arith.addi %add3A_90, %add3A_285 : vector<16xi32>
        %gather3A_287 = tpu.vector_load_idx %arg7[%add3A_286] : memref<49152xf32, #tpu.memory_space<vmem>>[vector<16xi32>], vector<16xf32>,
        %mul3A_288 = arith.mulf %gather3A_283, %gather3A_287 : vector<16xf32>
        %add3A_289 = arith.addf %add3A_249, %mul3A_288 : vector<16xf32>
        %add3A_290 = arith.constant 20 : i32
        %add3A_291 = vector.broadcast %add3A_290 : i32 to vector<16xi32>
        %add3A_292 = arith.addi %mul3A_86, %add3A_291 : vector<16xi32>
        %gather3A_293 = tpu.vector_load_idx %arg10[%add3A_292] : memref<576xf32, #tpu.memory_space<vmem>>[vector<16xi32>], vector<16xf32>,
        %add3A_294 = arith.constant 20 : i32
        %add3A_295 = vector.broadcast %add3A_294 : i32 to vector<16xi32>
        %add3A_296 = arith.addi %add3A_90, %add3A_295 : vector<16xi32>
        %gather3A_297 = tpu.vector_load_idx %arg7[%add3A_296] : memref<49152xf32, #tpu.memory_space<vmem>>[vector<16xi32>], vector<16xf32>,
        %mul3A_298 = arith.mulf %gather3A_293, %gather3A_297 : vector<16xf32>
        %add3A_299 = arith.addf %add3A_259, %mul3A_298 : vector<16xf32>
        %add3A_300 = arith.constant 21 : i32
        %add3A_301 = vector.broadcast %add3A_300 : i32 to vector<16xi32>
        %add3A_302 = arith.addi %mul3A_86, %add3A_301 : vector<16xi32>
        %gather3A_303 = tpu.vector_load_idx %arg10[%add3A_302] : memref<576xf32, #tpu.memory_space<vmem>>[vector<16xi32>], vector<16xf32>,
        %add3A_304 = arith.constant 21 : i32
        %add3A_305 = vector.broadcast %add3A_304 : i32 to vector<16xi32>
        %add3A_306 = arith.addi %add3A_90, %add3A_305 : vector<16xi32>
        %gather3A_307 = tpu.vector_load_idx %arg7[%add3A_306] : memref<49152xf32, #tpu.memory_space<vmem>>[vector<16xi32>], vector<16xf32>,
        %mul3A_308 = arith.mulf %gather3A_303, %gather3A_307 : vector<16xf32>
        %add3A_309 = arith.addf %add3A_269, %mul3A_308 : vector<16xf32>
        %add3A_310 = arith.constant 22 : i32
        %add3A_311 = vector.broadcast %add3A_310 : i32 to vector<16xi32>
        %add3A_312 = arith.addi %mul3A_86, %add3A_311 : vector<16xi32>
        %gather3A_313 = tpu.vector_load_idx %arg10[%add3A_312] : memref<576xf32, #tpu.memory_space<vmem>>[vector<16xi32>], vector<16xf32>,
        %add3A_314 = arith.constant 22 : i32
        %add3A_315 = vector.broadcast %add3A_314 : i32 to vector<16xi32>
        %add3A_316 = arith.addi %add3A_90, %add3A_315 : vector<16xi32>
        %gather3A_317 = tpu.vector_load_idx %arg7[%add3A_316] : memref<49152xf32, #tpu.memory_space<vmem>>[vector<16xi32>], vector<16xf32>,
        %mul3A_318 = arith.mulf %gather3A_313, %gather3A_317 : vector<16xf32>
        %add3A_319 = arith.addf %add3A_279, %mul3A_318 : vector<16xf32>
        %add3A_320 = arith.constant 23 : i32
        %add3A_321 = vector.broadcast %add3A_320 : i32 to vector<16xi32>
        %add3A_322 = arith.addi %mul3A_86, %add3A_321 : vector<16xi32>
        %gather3A_323 = tpu.vector_load_idx %arg10[%add3A_322] : memref<576xf32, #tpu.memory_space<vmem>>[vector<16xi32>], vector<16xf32>,
        %add3A_324 = arith.constant 23 : i32
        %add3A_325 = vector.broadcast %add3A_324 : i32 to vector<16xi32>
        %add3A_326 = arith.addi %add3A_90, %add3A_325 : vector<16xi32>
        %gather3A_327 = tpu.vector_load_idx %arg7[%add3A_326] : memref<49152xf32, #tpu.memory_space<vmem>>[vector<16xi32>], vector<16xf32>,
        %mul3A_328 = arith.mulf %gather3A_323, %gather3A_327 : vector<16xf32>
        %add3A_329 = arith.addf %add3A_289, %mul3A_328 : vector<16xf32>
        scf.yield %add3A_299, %add3A_309, %add3A_319, %add3A_329 : vector<16xf32>, vector<16xf32>, vector<16xf32>, vector<16xf32>
      }
      %scan3A_75 = arith.constant 128 : i32
      scf.yield %scan3A_74#0, %scan3A_74#1, %scan3A_74#2, %scan3A_74#3 : vector<16xf32>, vector<16xf32>, vector<16xf32>, vector<16xf32>
    }
    %scan3A_20 = arith.constant 25 : i32
    %add3A_21 = arith.addf %scan3A_19#0, %scan3A_19#1 : vector<16xf32>
    %add3A_22 = arith.addf %add3A_21, %scan3A_19#2 : vector<16xf32>
    %add3A_23 = arith.addf %add3A_22, %scan3A_19#3 : vector<16xf32>
    %swap3A = arith.constant 0 : index
    %swap3A_24 = tpu.vector_load %arg11[%swap3A] {strides = array<i32>} : memref<16xf32, #tpu.memory_space<vmem>>, vector<16xf32>,
    tpu.vector_store %arg11[%swap3A], %add3A_23 {strides = array<i32>} : memref<16xf32, #tpu.memory_space<vmem>>, vector<16xf32>,
    "tpu.region"() ({
      %run_scoped3A = tpu.sem_alloc : memref<!tpu.dma_semaphore, #tpu.memory_space<semaphore_mem>>
      %dma_start3A_25 = arith.constant 0 : i32
      %dma_start3A_26 = tpu.memref_slice %arg5[%add3A, %dma_start3A_25] : memref<32x16xf32, #tpu.memory_space<hbm>> -> memref<1x16xf32, #tpu.memory_space<hbm>>
      %dma_start3A_27 = tpu.memref_squeeze %dma_start3A_26 : memref<1x16xf32, #tpu.memory_space<hbm>> -> memref<16xf32, #tpu.memory_space<hbm>>
      %dma_start3A_28 = arith.constant 0 : i32
      %dma_start3A_29 = tpu.memref_slice %arg5[%add3A, %dma_start3A_28] : memref<32x16xf32, #tpu.memory_space<hbm>> -> memref<1x16xf32, #tpu.memory_space<hbm>>
      %dma_start3A_30 = tpu.memref_squeeze %dma_start3A_29 : memref<1x16xf32, #tpu.memory_space<hbm>> -> memref<16xf32, #tpu.memory_space<hbm>>
      tpu.enqueue_dma source(%arg11 : memref<16xf32, #tpu.memory_space<vmem>>) target(%dma_start3A_30 : memref<16xf32, #tpu.memory_space<hbm>>) target_semaphore(%run_scoped3A : memref<!tpu.dma_semaphore, #tpu.memory_space<semaphore_mem>>)
      %dma_wait3A = arith.constant 0 : i32
      %dma_wait3A_31 = tpu.memref_slice %arg5[%add3A, %dma_wait3A] : memref<32x16xf32, #tpu.memory_space<hbm>> -> memref<1x16xf32, #tpu.memory_space<hbm>>
      %dma_wait3A_32 = tpu.memref_squeeze %dma_wait3A_31 : memref<1x16xf32, #tpu.memory_space<hbm>> -> memref<16xf32, #tpu.memory_space<hbm>>
      %dma_wait3A_33 = arith.constant 0 : i32
      %dma_wait3A_34 = tpu.memref_slice %arg5[%add3A, %dma_wait3A_33] : memref<32x16xf32, #tpu.memory_space<hbm>> -> memref<1x16xf32, #tpu.memory_space<hbm>>
      %dma_wait3A_35 = tpu.memref_squeeze %dma_wait3A_34 : memref<1x16xf32, #tpu.memory_space<hbm>> -> memref<16xf32, #tpu.memory_space<hbm>>
      tpu.wait_dma2 semaphore(%run_scoped3A : memref<!tpu.dma_semaphore, #tpu.memory_space<semaphore_mem>>) src(%arg11 : memref<16xf32, #tpu.memory_space<vmem>>) dst(%dma_wait3A_35 : memref<16xf32, #tpu.memory_space<hbm>>)
      tpu.yield
    }) : () -> ()
    return
  }
}

</mosaic_0001>

<sc_bundles>
// kernel: kernel.3.cloned.1.call-start
scs
__scs_entry_jumppad:
0x0: {  	(pc) =	sbr.rel $0x88, $3  }
0x1: {  	(tag) =	ssettag $0x0;
	lr =	simm.s32 $0x1  }
0x2: {  	[smem:$0x3F9E] =	sst lr;
	_ =	strace $0xD0000000  }
0x3: {  	_ = 	snop  }
0x4: {  	_ = 	snop  }
0x5: {  	_ = 	snop  }
0x6: {  	_ = 	snop  }
0x7: {  	_ = 	snop  }
__scs_overlays_trampoline_lowered:
0x8: {  	[smem:$0x3FAD] =	sst s0  }
0x9: {  	[smem:$0x3FAE] =	sst s1  }
0xa: {  	[smem:$0x3FAF] =	sst s2  }
0xb: {  	[smem:$0x3FB0] =	sst s3  }
0xc: {  	[smem:$0x3FB1] =	sst s4  }
0xd: {  	[smem:$0x3FB2] =	sst s5  }
0xe: {  	[smem:$0x3FB3] =	sst s6  }
0xf: {  	[smem:$0x3FB4] =	sst s7  }
0x10: {  	[smem:$0x3FB5] =	sst s8  }
0x11: {  	[smem:$0x3FB6] =	sst s9;
	s0 =	simm.s32 @!p0 $0x0  }
0x12: {  	s1 =	sld [smem:$0x3F9C];
	s0 =	simm.s32 @p0 $0x1  }
0x13: {  	[smem:$0x3FB7] =	sst s0;
	s0 =	simm.s32 @!p1 $0x0  }
0x14: {  	s2 =	sld [smem:$0x3F9B];
	s0 =	simm.s32 @p1 $0x1  }
0x15: {  	[smem:$0x3FB8] =	sst s0;
	s0 =	simm.s32 @!p2 $0x0  }
0x16: {  	s3 =	sld [smem:$0x3FDB];
	s0 =	simm.s32 @p2 $0x1  }
0x17: {  	s4 =	simm.s32 $0x1BF5;
	[smem:$0x3FBA] =	sst s0  }
0x18: {  	s0 =	sld [smem:$0x3F9D];
	_ =	swait.ge [sflag:s4], $0x0  }
0x19: {  	s7 =	sld [smem:$0x3F9E]  }
0x1a: {  	s8 =	sadd.s32 $0xFFFFE003, lr  }
0x1b: {  	s9 =	sadd.s32 $0xFFFFFEF7, lr;
	s5 =	simm.s32 $0xFFFFFFFF;
	p2 =	slt.u32 s8, $0xFFFFF086  }
0x1c: {  	p1 =	slt.u32 s9, $0xF7A;
	s5 =	simm.s32 @!p2 $0x0  }
0x1d: {  	s5 =	simm.s32 @p1 $0x1;
	p0 =	seq.s32 s7, s2  }
0x1e: {  	s7 =	smul.u32 @!p0 $0xF7A, s2;
	p2 =	seq.s32 @!p0 s5, $0x0  }
0x1f: {  	s9 =	smul.u32 $0xF7A, s1;
	s8 =	simm.s32 @!p0 $0x1BF5;
	p2 =	por !p2, p0  }
0x20: {  	[sflag:s8] =	ssyncset.s32 @!p0 $0xFFFFF086;
	s6 =	sadd.s32 @!p0 s3, s7;
	s7 =	simm.s32 @!p0 $0x108  }
0x21: {  	s3 =	sadd.s32 s3, s9;
	s6 =	sadd.s32 @!p0 $0x88, s6;
	s7 =	simm.s32 @p2 $0x1082  }
0x22: {  	[simem:s7], [sflag:s8] =	dma.local @!p0 [hbm:s6], $0xF7A  }
0x23: {  	s9 =	sor.u32 $0xD0000000, s2;
	s6 =	simm.s32 $0x108;
	_ =	swait.ge @!p0 [sflag:s8], $0x0  }
0x24: {  	s3 =	sadd.s32 $0x88, s3;
	s6 =	simm.s32 @!p1 $0x1082;
	[sflag:s4] =	ssyncset.s32 $0xFFFFF086  }
0x25: {  	[simem:s6], [sflag:s4] =	dma.local [hbm:s3], $0xF7A  }
0x26: {  	[smem:$0x3F9E] =	sst s1;
	(tag) =	ssettag s2;
	_ =	strace s9  }
0x27: {  	s1 =	sld [smem:$0x3FAE]  }
0x28: {  	s2 =	sld [smem:$0x3FAF]  }
0x29: {  	s4 =	sld [smem:$0x3FB1]  }
0x2a: {  	p0 =	seq.s32 s5, $0x0;
	s5 =	sld [smem:$0x3FB2]  }
0x2b: {  	s6 =	sld [smem:$0x3FB3]  }
0x2c: {  	s7 =	sld [smem:$0x3FB4]  }
0x2d: {  	s3 =	simm.s32 $0x108;
	s8 =	sld [smem:$0x3FB5]  }
0x2e: {  	s3 =	simm.s32 @!p0 $0x1082;
	s9 =	sld [smem:$0x3FB6]  }
0x2f: {  	lr =	sadd.s32 s0, s3;
	s0 =	sld [smem:$0x3FAD]  }
0x30: {  	s3 =	sld [smem:$0x3FB0]  }
0x31: {  	[smem:$0x3FB9] =	sst s10  }
0x32: {  	s10 =	sld [smem:$0x3FB7];
	_ =	sdelay $0x3  }
0x33: {  	p0 =	seq.s32 s10, $0x1;
	s10 =	sld [smem:$0x3FB9];
	_ =	sdelay $0x3  }
0x34: {  	[smem:$0x3FB9] =	sst s10  }
0x35: {  	s10 =	sld [smem:$0x3FB8];
	_ =	sdelay $0x3  }
0x36: {  	p1 =	seq.s32 s10, $0x1;
	s10 =	sld [smem:$0x3FB9];
	_ =	sdelay $0x3  }
0x37: {  	[smem:$0x3FB9] =	sst s10  }
0x38: {  	s10 =	sld [smem:$0x3FBA]  }
0x39: {  	_ = 	snop;
	(pc) =	sbr.ind lr, $3  }
0x3a: {  	_ = 	snop  }
0x3b: {  	_ = 	snop  }
0x3c: {  	p2 =	seq.s32 s10, $0x1;
	s10 =	sld [smem:$0x3FB9]  }
0x3d: {  	_ =	shalt  }
0x3e: {  	_ =	shalt  }
0x3f: {  	_ =	shalt  }
0x40: {  	_ =	shalt  }
0x41: {  	_ =	shalt  }
0x42: {  	_ =	shalt  }
0x43: {  	_ =	shalt  }
0x44: {  	_ =	shalt  }
0x45: {  	_ =	shalt  }
0x46: {  	_ =	shalt  }
0x47: {  	_ =	shalt  }
0x48: {  	_ =	shalt  }
0x49: {  	_ =	shalt  }
0x4a: {  	_ =	shalt  }
0x4b: {  	_ =	shalt  }
0x4c: {  	_ =	shalt  }
0x4d: {  	_ =	shalt  }
0x4e: {  	_ =	shalt  }
0x4f: {  	_ =	shalt  }
0x50: {  	_ =	shalt  }
0x51: {  	_ =	shalt  }
0x52: {  	_ =	shalt  }
0x53: {  	_ =	shalt  }
0x54: {  	_ =	shalt  }
0x55: {  	_ =	shalt  }
0x56: {  	_ =	shalt  }
0x57: {  	_ =	shalt  }
0x58: {  	_ =	shalt  }
0x59: {  	_ =	shalt  }
0x5a: {  	_ =	shalt  }
0x5b: {  	_ =	shalt  }
0x5c: {  	_ =	shalt  }
0x5d: {  	_ =	shalt  }
0x5e: {  	_ =	shalt  }
0x5f: {  	_ =	shalt  }
0x60: {  	_ =	shalt  }
0x61: {  	_ =	shalt  }
0x62: {  	_ =	shalt  }
0x63: {  	_ =	shalt  }
0x64: {  	_ =	shalt  }
0x65: {  	_ =	shalt  }
0x66: {  	_ =	shalt  }
0x67: {  	_ =	shalt  }
0x68: {  	_ =	shalt  }
0x69: {  	_ =	shalt  }
0x6a: {  	_ =	shalt  }
0x6b: {  	_ =	shalt  }
0x6c: {  	_ =	shalt  }
0x6d: {  	_ =	shalt  }
0x6e: {  	_ =	shalt  }
0x6f: {  	_ =	shalt  }
0x70: {  	_ =	shalt  }
0x71: {  	_ =	shalt  }
0x72: {  	_ =	shalt  }
0x73: {  	_ =	shalt  }
0x74: {  	_ =	shalt  }
0x75: {  	_ =	shalt  }
0x76: {  	_ =	shalt  }
0x77: {  	_ =	shalt  }
0x78: {  	_ =	shalt  }
0x79: {  	_ =	shalt  }
0x7a: {  	_ =	shalt  }
0x7b: {  	_ =	shalt  }
0x7c: {  	_ =	shalt  }
0x7d: {  	_ =	shalt  }
0x7e: {  	_ =	shalt  }
0x7f: {  	_ =	shalt  }
0x80: {  	_ =	shalt  }
0x81: {  	_ =	shalt  }
0x82: {  	_ =	shalt  }
0x83: {  	_ =	shalt  }
0x84: {  	_ =	shalt  }
0x85: {  	_ =	shalt  }
0x86: {  	_ =	shalt  }
0x87: {  	_ =	shalt  }
.Lfunc_end0:
.L_simem_size_0:
called_computation_lowered:
.L_overlay_start_0:
0x88: {  	s2 =	sld [smem:$0x3FD9]  }
0x89: {  	s3 =	sld [smem:$0x3FFE];
	_ =	sdelay $0x1  }
0x8a: {  	s1 =	srdreg.scid  }
0x8b: {  	s0 =	sand.u32 $0x1, s1  }
0x8c: {  	s16 =	sshll.u32 s0, $0xA;
	s2 =	sadd.s32 s3, s2  }
0x8d: {  	s2 =	sadd.s32 s2, s16  }
0x8e: {  	[smem:$0x3FC5] =	sst s2  }
0x8f: {  	_ = 	snop  }
0x90: {  	(tm) =	ssettm $0x1  }
0x91: {  	s17 =	sld [smem:$0x3FFB];
	_ =	sdelay $0x3  }
0x92: {  	_ =	strace s17  }
0x93: {  	s2 =	sld [smem:$0x3FFC];
	_ =	sdelay $0x3  }
0x94: {  	_ =	strace s2  }
0x95: {  	s2 =	sld [smem:$0x3FFD];
	_ =	sdelay $0x3  }
0x96: {  	_ =	strace s2  }
0x97: {  	_ =	strace $0x8FFFFFFF  }
0x98: {  	s18 =	sld [smem:$0x3FDB];
	_ =	sdelay $0x1  }
0x99: {  	s19 =	simm.s32 $_scs_section_size  }
0x9a: {  	s4 =	simm.s32 $_size__tile_overlayer_lowered;
	s5 =	simm.s32 $_tile_overlayer_lowered  }
0x9b: {  	s22 =	simm.s32 $0x1BFF;
	s21 =	sshll.u32 s5, $0x1;
	s2 =	sadd.s32 s19, s18  }
0x9c: {  	s6 =	simm.s32 $0x0;
	s20 =	sshll.u32 s4, $0x1;
	s4 =	sadd.s32 s21, s2  }
0x9d: {  	[timem:s6], [sflag:s22] =	dma.local [hbm:s4], s20  }
0x9e: {  	_ =	swait.ge [sflag:s22], s20  }
0x9f: {  	s3 =	ssub.s32 $0x0, s20;
	[sflag:s22] =	ssyncset.done $0x0  }
0xa0: {  	[sflag:s22] =	ssyncadd.s32 s3;
	_ =	sdelay $0x1  }
0xa1: {  	s23 =	simm.s32 $0x1B8B  }
0xa2: {  	_ =	swait.ge [sflag:s23], $0x1  }
0xa3: {  	[sflag:s23] =	ssyncset.done $0x0  }
0xa4: {  	s25 =	simm.s32 $0x1B8E;
	s24 =	sld [smem:$0x3FFE];
	[sflag:s23] =	ssyncadd.s32 $0xFFFFFFFF  }
0xa5: {  	s26 =	simm.s32 $execute0_lowered;
	[smem:$0x3FD2] =	sst s25  }
0xa6: {  	s4 =	sshll.u32 s26, $0x1;
	_ =	strace $0x80000046;
	[dreg:$0x1] =	wrdreg $0xFFFFFFFF  }
0xa7: {  	s28 =	simm.s32 $_size_execute0_lowered;
	s2 =	sadd.s32 s2, s4;
	[dreg:$0x0] =	wrdreg $0x0  }
0xa8: {  	s4 =	sshll.u32 s28, $0x1;
	[dreg:$0x2] =	wrdreg s2  }
0xa9: {  	[dreg:$0x3] =	wrdreg s4  }
0xaa: {  	[dreg:$0x4] =	wrdreg $0xC0  }
0xab: {  	_ =	task [dreg:s6], $0x5FFFF  }
0xac: {  	[dreg:$0x1] =	wrdreg $0xFFFFFFFF  }
0xad: {  	[dreg:$0x0] =	wrdreg $0x60  }
0xae: {  	[dreg:$0x2] =	wrdreg s24  }
0xaf: {  	[dreg:$0x3] =	wrdreg $0x9  }
0xb0: {  	_ =	task.clear_ibuf [dreg:s6], $0x4FFFF;
	_ =	strace $0x90000046  }
0xb1: {  	s29 =	simm.s32 $0x9;
	_ =	strace $0x80000048  }
0xb2: {  	_ =	swait.ge [sflag:s29], $0x1  }
0xb3: {  	[sflag:s29] =	ssyncadd.s32 $0xFFFFFFFF  }
0xb4: {  	_ =	strace $0x90000048  }
0xb5: {  	_ =	sfence  }
0xb6: {  	s30 =	sld [smem:$0x0];
	_ =	sdelay $0x2  }
0xb7: {  	s31 =	sshll.u32 s1, $0xD;
	s1 =	sshrl.u32 s1, $0x2  }
0xb8: {  	s3 =	sand.u32 $0x4000, s31;
	s1 =	sadd.s32 s1, s30  }
0xb9: {  	s0 =	sor.u32 s3, s0;
	s1 =	sshll.u32 s1, $0x11  }
0xba: {  	s0 =	sor.u32 s1, s0  }
0xbb: {  	s0 =	sadd.s32 $0x8F2B, s0  }
0xbc: {  	[sflag:s0] =	ssyncadd.remote.s32 $0x1  }
0xbd: {  	_ =	sfence.sel $0xFFFF  }
0xbe: {  	[dreg:$0x0] =	wrdreg $0xFFFFFFFF;
	(pc) =	sbr.abs _section_cstart, $3  }
0xbf: {  	[dreg:$0x1] =	wrdreg $0xFFFFFFFF  }
0xc0: {  	_ =	task.clear_ibuf [dreg:s6], $0x2FFFF;
	_ =	strace $0x9FFFFFFF  }
0xc1: {  	(tm) =	ssettm $0x7FFFFFFF  }
tec
execute0_lowered:
.L_overlay_start_1:
0x0: {  	(tag) =	ssettag $0x1  }
0x1: {  	v0 =	vimm.s32 $0x8705840;
	v1 =	vimm.s32 $0x68503820  }
0x2: {  	v2 =	vimm.s32 $0x48301800;
	v3 =	vimm.s32 $0x28107860;
	v4 =	vlaneseq.u32  }
0x3: {  	vm0 =	vcmask $0x1F10;
	v5 =	vimm.s32 $0x9715941;
	v34 =	vimm.s32 $0x69513921  }
0x4: {  	v35 =	vimm.s32 $0x49311901;
	v6 =	vimm.s32 $0x29117961;
	v36 =	vimm.s32 $0xA725A42  }
0x5: {  	v39 =	vimm.s32 $0x6A523A22;
	v40 =	vimm.s32 $0x4A321A02;
	v41 =	vimm.s32 $0x2A127A62  }
0x6: {  	v43 =	vimm.s32 $0xB735B43;
	v45 =	vimm.s32 $0x6B533B23;
	v46 =	vimm.s32 $0x4B331B03  }
0x7: {  	v47 =	vimm.s32 $0x2B137B63;
	v49 =	vimm.s32 $0xC745C44;
	v51 =	vimm.s32 $0x6C543C24  }
0x8: {  	v52 =	vimm.s32 $0x4C341C04;
	v53 =	vimm.s32 $0x2C147C64;
	v54 =	vimm.s32 $0xD755D45  }
0x9: {  	v56 =	vimm.s32 $0x6D553D25;
	v57 =	vimm.s32 $0x4D351D05;
	v58 =	vimm.s32 $0x2D157D65  }
0xa: {  	v59 =	vimm.s32 $0xE765E46;
	v61 =	vimm.s32 $0x6E563E26;
	v62 =	vimm.s32 $0x4E361E06  }
0xb: {  	v63 =	vimm.s32 $0x2E167E66;
	v24 =	vimm.s32 $0xF775F47;
	v26 =	vimm.s32 $0x6F573F27  }
0xc: {  	v0 =	vunpack.c.0.s8.s32 v0;
	v1 =	vunpack.c.0.s8.s32 v1;
	v2 =	vunpack.c.0.s8.s32 v2  }
0xd: {  	v3 =	vunpack.c.0.s8.s32 v3;
	v33 =	vunpack.c.0.s8.s32 v5;
	v5 =	vunpack.c.0.s8.s32 v35  }
0xe: {  	v6 =	vunpack.c.0.s8.s32 v6;
	v10 =	vmul.u32 $0x18, v4;
	v4 =	vunpack.c.0.s8.s32 v40  }
0xf: {  	v40 =	vimm.s32 $0x11796149;
	v0 =	vsel vm0, v1, v0;
	v32 =	vsel vm0, v3, v2  }
0x10: {  	v3 =	vunpack.c.0.s8.s32 v34;
	v38 =	vsel vm0, v6, v5;
	v5 =	vunpack.c.0.s8.s32 v41  }
0x11: {  	v42 =	vor.u32 $0x1, v10;
	v48 =	vor.u32 $0x2, v10;
	v34 =	vimm.s32 $0x10786048  }
0x12: {  	v0 =	vcombine.low v32, v0;
	[tilespmem:$0x1FD30] =	vst v48;
	v32 =	vimm.s32 $0x4F371F07;
	v48 =	vimm.s32 $0x51392109  }
0x13: {  	v37 =	vsel vm0, v3, v33;
	v3 =	vunpack.c.0.s8.s32 v39;
	v44 =	vsel vm0, v5, v4  }
0x14: {  	v4 =	vunpack.c.0.s8.s32 v46;
	v5 =	vunpack.c.0.s8.s32 v47;
	v33 =	vimm.s32 $0x2F177F67  }
0x15: {  	v47 =	vimm.s32 $0x71594129;
	[tilespmem:$0x1FD00] =	vst v0;
	v0 =	vunpack.c.0.s8.s32 v36;
	v1 =	vcombine.low v38, v37  }
0x16: {  	v36 =	vimm.s32 $0x70584028;
	v37 =	vimm.s32 $0x50382008;
	v38 =	vimm.s32 $0x30180068  }
0x17: {  	v50 =	vsel vm0, v5, v4;
	v4 =	vunpack.c.0.s8.s32 v52;
	v5 =	vunpack.c.0.s8.s32 v53  }
0x18: {  	[tilespmem:$0x1FD10] =	vst v42;
	v52 =	vimm.s32 $0x725A422A;
	v53 =	vimm.s32 $0x523A220A;
	v0 =	vsel vm0, v3, v0  }
0x19: {  	[tilespmem:$0x1FD20] =	vst v1;
	v1 =	vunpack.c.0.s8.s32 v43;
	v3 =	vunpack.c.0.s8.s32 v45;
	v42 =	vcombine.low v44, v0  }
0x1a: {  	v0 =	vunpack.c.0.s8.s32 v49;
	v55 =	vsel vm0, v5, v4;
	v4 =	vunpack.c.0.s8.s32 v57  }
0x1b: {  	v5 =	vunpack.c.0.s8.s32 v58;
	v49 =	vimm.s32 $0x31190169;
	v57 =	vimm.s32 $0x735B432B  }
0x1c: {  	v58 =	vimm.s32 $0x533B230B;
	v1 =	vsel vm0, v3, v1;
	v3 =	vunpack.c.0.s8.s32 v51  }
0x1d: {  	v11 =	vcombine.low v50, v1;
	v1 =	vunpack.c.0.s8.s32 v54;
	v60 =	vsel vm0, v5, v4  }
0x1e: {  	v4 =	vunpack.c.0.s8.s32 v62;
	v5 =	vunpack.c.0.s8.s32 v63;
	v50 =	vimm.s32 $0x127A624A  }
0x1f: {  	v54 =	vimm.s32 $0x321A026A;
	v62 =	vimm.s32 $0x745C442C;
	v0 =	vsel vm0, v3, v0  }
0x20: {  	v63 =	vimm.s32 $0x543C240C;
	v3 =	vunpack.c.0.s8.s32 v56;
	v41 =	vcombine.low v55, v0  }
0x21: {  	v0 =	vunpack.c.0.s8.s32 v59;
	v25 =	vsel vm0, v5, v4;
	v4 =	vunpack.c.0.s8.s32 v32  }
0x22: {  	v5 =	vunpack.c.0.s8.s32 v33;
	v55 =	vimm.s32 $0x137B634B;
	v59 =	vimm.s32 $0x331B036B  }
0x23: {  	v32 =	vimm.s32 $0x755D452D;
	v33 =	vimm.s32 $0x553D250D;
	v1 =	vsel vm0, v3, v1  }
0x24: {  	v3 =	vunpack.c.0.s8.s32 v61;
	v39 =	vcombine.low v60, v1;
	v1 =	vunpack.c.0.s8.s32 v24  }
0x25: {  	v35 =	vsel vm0, v5, v4;
	v4 =	vunpack.c.0.s8.s32 v37;
	v5 =	vunpack.c.0.s8.s32 v38  }
0x26: {  	v60 =	vimm.s32 $0x147C644C;
	v24 =	vimm.s32 $0x341C046C;
	v0 =	vsel vm0, v3, v0  }
0x27: {  	v3 =	vunpack.c.0.s8.s32 v26;
	v14 =	vcombine.low v25, v0;
	v0 =	vunpack.c.0.s8.s32 v34  }
0x28: {  	v44 =	vsel vm0, v5, v4;
	v4 =	vunpack.c.0.s8.s32 v48;
	v5 =	vunpack.c.0.s8.s32 v49  }
0x29: {  	v25 =	vimm.s32 $0x157D654D;
	v34 =	vimm.s32 $0x351D056D;
	v48 =	vimm.s32 $0x563E260E  }
0x2a: {  	v49 =	vimm.s32 $0x361E066E;
	v1 =	vsel vm0, v3, v1;
	v3 =	vunpack.c.0.s8.s32 v36  }
0x2b: {  	v38 =	vcombine.low v35, v1;
	v1 =	vunpack.c.0.s8.s32 v40;
	v51 =	vsel vm0, v5, v4  }
0x2c: {  	v4 =	vunpack.c.0.s8.s32 v53;
	v5 =	vunpack.c.0.s8.s32 v54;
	v35 =	vimm.s32 $0x167E664E  }
0x2d: {  	v53 =	vimm.s32 $0x775F472F;
	v0 =	vsel vm0, v3, v0;
	v3 =	vunpack.c.0.s8.s32 v47  }
0x2e: {  	v15 =	vcombine.low v44, v0;
	v0 =	vunpack.c.0.s8.s32 v50;
	v56 =	vsel vm0, v5, v4  }
0x2f: {  	v4 =	vunpack.c.0.s8.s32 v58;
	v5 =	vunpack.c.0.s8.s32 v59;
	v44 =	vimm.s32 $0x765E462E  }
0x30: {  	v58 =	vimm.s32 $0x371F076F;
	v1 =	vsel vm0, v3, v1;
	v3 =	vunpack.c.0.s8.s32 v52  }
0x31: {  	v36 =	vcombine.low v51, v1;
	v1 =	vunpack.c.0.s8.s32 v55;
	v61 =	vsel vm0, v5, v4  }
0x32: {  	v4 =	vunpack.c.0.s8.s32 v63;
	v5 =	vunpack.c.0.s8.s32 v24;
	v51 =	vimm.s32 $0x177F674F  }
0x33: {  	v55 =	vimm.s32 $0x573F270F;
	v63 =	vimm.s32 $0x58402810;
	v0 =	vsel vm0, v3, v0  }
0x34: {  	v24 =	vimm.s32 $0x38200870;
	v3 =	vunpack.c.0.s8.s32 v57;
	v16 =	vcombine.low v56, v0  }
0x35: {  	v26 =	vsel vm0, v5, v4;
	v4 =	vunpack.c.0.s8.s32 v33;
	v5 =	vunpack.c.0.s8.s32 v34  }
0x36: {  	v0 =	vunpack.c.0.s8.s32 v60;
	v1 =	vsel vm0, v3, v1;
	v3 =	vunpack.c.0.s8.s32 v62  }
0x37: {  	v60 =	vimm.s32 $0x18006850;
	v50 =	vcombine.low v61, v1;
	v37 =	vsel vm0, v5, v4  }
0x38: {  	v4 =	vunpack.c.0.s8.s32 v48;
	v5 =	vunpack.c.0.s8.s32 v49;
	v0 =	vsel vm0, v3, v0  }
0x39: {  	v1 =	vunpack.c.0.s8.s32 v25;
	v3 =	vunpack.c.0.s8.s32 v32;
	v56 =	vcombine.low v26, v0  }
0x3a: {  	v0 =	vunpack.c.0.s8.s32 v35;
	v52 =	vsel vm0, v5, v4;
	v4 =	vunpack.c.0.s8.s32 v55  }
0x3b: {  	v5 =	vunpack.c.0.s8.s32 v58;
	v1 =	vsel vm0, v3, v1;
	v3 =	vunpack.c.0.s8.s32 v44  }
0x3c: {  	v62 =	vimm.s32 $0x78604830;
	v59 =	vcombine.low v37, v1;
	v1 =	vunpack.c.0.s8.s32 v51  }
0x3d: {  	v61 =	vsel vm0, v5, v4;
	v0 =	vsel vm0, v3, v0;
	v3 =	vunpack.c.0.s8.s32 v53  }
0x3e: {  	v4 =	vunpack.c.0.s8.s32 v63;
	v5 =	vunpack.c.0.s8.s32 v24;
	v48 =	vcombine.low v52, v0  }
0x3f: {  	v0 =	vunpack.c.0.s8.s32 v60;
	v1 =	vsel vm0, v3, v1;
	v3 =	vunpack.c.0.s8.s32 v62;
	_ =	sdelay $0x1  }
0x40: {  	v26 =	vsel vm0, v5, v4;
	v0 =	vsel vm0, v3, v0  }
0x41: {  	v0 =	vcombine.low v26, v0  }
0x42: {  	s7 =	rddreg [dreg:$0x0];
	s2 =	simm.s32 $0x0  }
0x43: {  	[smem:$0x7FF] =	sst s2;
	[tilespmem:$0x1FD40] =	vst v0  }
0x44: {  	s0 =	rddreg [dreg:$0x1];
	v21 =	vadd.s32 $0x16, v10;
	_ =	strace $0x80000047;
	[tilespmem:$0x1FD60] =	vst v10  }
0x45: {  	v34 =	vadd.s32 $0xE, v10;
	v37 =	vimm.s32 $0x1A026A52;
	[tilespmem:$0x1FD90] =	vst v21  }
0x46: {  	v0 =	vunpack.c.0.s8.s32 v37;
	v37 =	vadd.s32 $0x12, v10;
	[tilespmem:$0x1FDB0] =	vst v34  }
0x47: {  	v25 =	vimm.s32 $0x19016951;
	[tilespmem:$0x1FDD0] =	vst v37  }
0x48: {  	v32 =	vimm.s32 $0x79614931;
	v51 =	vadd.s32 $0xF, v10;
	v44 =	vcombine.low v61, v1;
	[tilespmem:$0x1FDE0] =	vst v48  }
0x49: {  	v1 =	vunpack.c.0.s8.s32 v25;
	v3 =	vunpack.c.0.s8.s32 v32;
	[tilespmem:$0x1FDF0] =	vst v51  }
0x4a: {  	v53 =	vimm.s32 $0x7A624A32;
	[tilespmem:$0x1FE00] =	vst v44  }
0x4b: {  	v1 =	vsel vm0, v3, v1;
	v3 =	vunpack.c.0.s8.s32 v53;
	v53 =	vadd.s32 $0x11, v10;
	[tilespmem:$0x1FE10] =	vst v50  }
0x4c: {  	v54 =	vadd.s32 $0xC, v10;
	[tilespmem:$0x1FE20] =	vst v53  }
0x4d: {  	[tilespmem:$0x1FE40] =	vst v54  }
0x4e: {  	v57 =	vadd.s32 $0xD, v10;
	[tilespmem:$0x1FE50] =	vst v56  }
0x4f: {  	v18 =	vadd.s32 $0x10, v10;
	[tilespmem:$0x1FE70] =	vst v57  }
0x50: {  	v7 =	vimm.s32 $0x3D250D75;
	[tilespmem:$0x1FE80] =	vst v18  }
0x51: {  	v8 =	vimm.s32 $0x1E066E56;
	v9 =	vimm.s32 $0x7E664E36;
	v7 =	vunpack.c.0.s8.s32 v7;
	[tilespmem:$0x1FEA0] =	vst v59  }
0x52: {  	v12 =	vor.u32 $0x4, v10;
	v13 =	vor.u32 $0x6, v10;
	v29 =	vadd.s32 $0x8, v10;
	[tilespmem:$0x1FEE0] =	vst v14  }
0x53: {  	v22 =	vadd.s32 $0xA, v10;
	v46 =	vor.u32 $0x7, v10;
	v43 =	vor.u32 $0x3, v10;
	[tilespmem:$0x1FEF0] =	vst v15  }
0x54: {  	v45 =	vor.u32 $0x5, v10;
	v33 =	vimm.s32 $0x59412911;
	v35 =	vimm.s32 $0x39210971;
	[tilespmem:$0x1FF00] =	vst v16  }
0x55: {  	v40 =	vadd.s32 $0xB, v10;
	v55 =	vimm.s32 $0x5A422A12;
	v58 =	vimm.s32 $0x3A220A72;
	[tilespmem:$0x1FF10] =	vst v13  }
0x56: {  	v63 =	vimm.s32 $0x5B432B13;
	v24 =	vimm.s32 $0x3B230B73;
	v4 =	vunpack.c.0.s8.s32 v33;
	[tilespmem:$0x1FF20] =	vst v11  }
0x57: {  	v5 =	vunpack.c.0.s8.s32 v35;
	v60 =	vimm.s32 $0x1B036B53;
	v52 =	vimm.s32 $0x5C442C14;
	[tilespmem:$0x1FF30] =	vst v12  }
0x58: {  	v62 =	vimm.s32 $0x7B634B33;
	v2 =	vunpack.c.0.s8.s32 v52;
	v52 =	vimm.s32 $0x5E462E16;
	[tilespmem:$0x1FF40] =	vst v29  }
0x59: {  	v49 =	vsel vm0, v5, v4;
	v4 =	vunpack.c.0.s8.s32 v55;
	v5 =	vunpack.c.0.s8.s32 v58;
	[tilespmem:$0x1FF50] =	vst v36  }
0x5a: {  	v47 =	vadd.s32 $0x9, v10;
	v58 =	vimm.s32 $0x3C240C74;
	v32 =	vimm.s32 $0x1C046C54;
	[tilespmem:$0x1FF60] =	vst v38  }
0x5b: {  	v61 =	vsel vm0, v5, v4;
	v4 =	vunpack.c.0.s8.s32 v63;
	v5 =	vunpack.c.0.s8.s32 v24;
	[tilespmem:$0x1FF70] =	vst v40  }
0x5c: {  	v33 =	vunpack.c.0.s8.s32 v32;
	v63 =	vimm.s32 $0x7D654D35;
	v24 =	vimm.s32 $0x5D452D15;
	[tilespmem:$0x1FF80] =	vst v39  }
0x5d: {  	v6 =	vunpack.c.0.s8.s32 v24;
	v24 =	vimm.s32 $0x5F472F17;
	v55 =	vcombine.low v49, v1;
	[tilespmem:$0x1FF90] =	vst v41  }
0x5e: {  	v1 =	vunpack.c.0.s8.s32 v60;
	v26 =	vsel vm0, v5, v4;
	v49 =	vimm.s32 $0x7C644C34;
	[tilespmem:$0x1FFA0] =	vst v22  }
0x5f: {  	v60 =	vimm.s32 $0x1D056D55;
	v5 =	vunpack.c.0.s8.s32 v63;
	v63 =	vimm.s32 $0x7F674F37;
	[tilespmem:$0x1FFB0] =	vst v43  }
0x60: {  	v4 =	vunpack.c.0.s8.s32 v60;
	[tilespmem:$0x1FFC0] =	vst v45;
	v0 =	vsel vm0, v3, v0;
	v3 =	vunpack.c.0.s8.s32 v62  }
0x61: {  	v32 =	vsel vm0, v7, v6;
	v60 =	vimm.s32 $0x1F076F57;
	[tilespmem:$0x1FFD0] =	vst v46;
	v35 =	vcombine.low v61, v0  }
0x62: {  	[tilespmem:$0x1FFE0] =	vst v47;
	v61 =	vadd.s32 $0x13, v10;
	v25 =	vsel vm0, v3, v1;
	v1 =	vunpack.c.0.s8.s32 v49  }
0x63: {  	[tilespmem:$0x1FFF0] =	vst v42;
	v3 =	vunpack.c.0.s8.s32 v58;
	v58 =	vimm.s32 $0x3E260E76;
	v62 =	vcombine.low v26, v25  }
0x64: {  	s3 =	srdreg.scid;
	s1 =	stileid.u32;
	[tilespmem:$0x1FE30] =	vst v55;
	v25 =	vunpack.c.0.s8.s32 v8;
	v8 =	vunpack.c.0.s8.s32 v9;
	v26 =	vsel vm0, v5, v4  }
0x65: {  	s13 =	simm.s32 $0x5;
	s14 =	simm.s32 $0x18000;
	s15 =	simm.s32 $0xC000;
	[tilespmem:$0x1FE90] =	vst v61;
	v4 =	vunpack.c.0.s8.s32 v63;
	v63 =	vadd.s32 $0x15, v10;
	v0 =	vsel vm0, v1, v33  }
0x66: {  	s16 =	simm.s32 $0x18800;
	s17 =	simm.s32 $0x1;
	s18 =	simm.s32 $0x3;
	[tilespmem:$0x1FDC0] =	vst v35;
	v2 =	vsel vm0, v3, v2;
	v31 =	vcombine.low v32, v26;
	v1 =	vunpack.c.0.s8.s32 v52  }
0x67: {  	s19 =	simm.s32 $0x2;
	s20 =	simm.s32 $0x4;
	s21 =	simm.s32 $0x19280;
	v3 =	vunpack.c.0.s8.s32 v60;
	[tilespmem:$0x1FEB0] =	vst v63;
	v0 =	vcombine.low v2, v0;
	v33 =	vsel vm0, v8, v25  }
0x68: {  	s22 =	simm.s32 $0x0;
	s8 =	sand.u32 $0x1, s3;
	s4 =	sshll.u32 s1, $0x1;
	v2 =	vunpack.c.0.s8.s32 v58;
	v25 =	vimm.s32 $0x3F270F77;
	v58 =	vadd.s32 $0x14, v10;
	[tilespmem:$0x1FEC0] =	vst v62  }
0x69: {  	s3 =	sadd.s32 $0x3200400, s7;
	s5 =	sadd.s32 $0x64400, s7;
	s9 =	sor.u32 s8, s4;
	v5 =	vunpack.c.0.s8.s32 v24;
	v6 =	vunpack.c.0.s8.s32 v25;
	[tilespmem:$0x1FE60] =	vst v58  }
0x6a: {  	s4 =	sadd.s32 $0x400, s7;
	s11 =	ssub.s32 $0x2, s8;
	s6 =	smul.u32 $0x19000, s9;
	v26 =	vsel vm0, v4, v3;
	[tilespmem:$0x1FED0] =	vst v31;
	v1 =	vsel vm0, v2, v1  }
0x6b: {  	s10 =	sshll.u32 s9, $0x4;
	s9 =	smul.u32 $0x4B000, s9;
	s31 =	sshrl.u32 s11, $0x1;
	[tilespmem:$0x1FD50] =	vst v0;
	v49 =	vsel vm0, v6, v5;
	v52 =	vcombine.low v1, v33;
	v33 =	vadd.s32 $0x17, v10  }
0x6c: {  	s30 =	sadd.s32 s10, s7;
	s11 =	ssub.s32 s11, s31;
	s12 =	sshrl.u32 s6, $0x3;
	v60 =	vcombine.low v49, v26;
	[tilespmem:$0x1FDA0] =	vst v33  }
0x6d: {  	s7 =	sadd.s32 $0x1000, s6;
	s8 =	sadd.s32 $0x64600, s30;
	s9 =	sadd.s32 s3, s9;
	[tilespmem:$0x1FD80] =	vst v52  }
0x6e: {  	s11 =	smax.u32 s11, $0x1;
	s10 =	sadd.s32 s4, s12;
	s12 =	simm.s32 $0x19000;
	[tilespmem:$0x1FD70] =	vst v60  }
.LBB2_1:
0x6f: {  	[tilespmem:s12], [sflag:$0x5] =	stream.linear.gather [hbm4b:s5+s2], $0x280, $0x38;
	[tilespmem:$0x19300] =	vst v63  }
0x70: {  	_ =	swait.ge [sflag:s13], $0x280  }
0x71: {  	[sflag:s13] =	ssyncset.done $0x0  }
0x72: {  	[sflag:s13] =	ssyncadd.s32 $0xFFFFFD80  }
0x73: {  	[tilespmem:s2], [sflag:$0x1] =	stream.linear.gather [hbm4b:s9+s2], $0xC000, $0x38;
	[tilespmem:$0x19300] =	vst v63  }
0x74: {  	v5 =	vimm.f32 $0.0e+00;
	s23 =	simm.s32 $0x0  }
0x75: {  	v1 =	vimm.f32 $0.0e+00;
	v2 =	vimm.f32 $0.0e+00;
	v10 =	vimm.f32 $0.0e+00;
	[tilespmem:s14], [sflag:$0x3] =	stream.linear.gather [hbm4b:s10+s2], $0x800, $0x38;
	[tilespmem:$0x19300] =	vst v63  }
.LBB2_2:
0x76: {  	s24 =	sshll.u32 s23, $0xC  }
0x77: {  	s25 =	sadd.s32 s24, s6  }
0x78: {  	s25 =	sadd.s32 $0x800, s25  }
0x79: {  	s26 =	smul.u32 $0x3, s25  }
0x7a: {  	[tilespmem:$0x1FC70] =	vst v2  }
0x7b: {  	[tilespmem:$0x1FC50] =	vst v5;
	s30 =	simm.s32 $0x0;
	s25 =	sshrl.u32 s25, $0x3;
	s28 =	sadd.s32 s3, s26  }
0x7c: {  	[tilespmem:s15], [sflag:$0x2] =	stream.linear.gather [hbm4b:s28+s30], $0xC000, $0x38;
	[tilespmem:$0x19300] =	vst v63  }
0x7d: {  	[tilespmem:$0x1FCE0] =	vst v1;
	s25 =	sadd.s32 s4, s25  }
0x7e: {  	[tilespmem:s16], [sflag:$0x4] =	stream.linear.gather [hbm4b:s25+s30], $0x800, $0x38;
	[tilespmem:$0x19300] =	vst v63  }
0x7f: {  	_ =	swait.ge [sflag:s17], $0xC000  }
0x80: {  	[sflag:s17] =	ssyncset.done $0x0  }
0x81: {  	[sflag:s17] =	ssyncadd.s32 $0xFFFF4000  }
0x82: {  	_ =	swait.ge [sflag:s18], $0x800  }
0x83: {  	v1 =	vld [tilespmem:$0x1FD60]  }
0x84: {  	[sflag:s18] =	ssyncset.done $0x0  }
0x85: {  	s31 =	simm.s32 $0x18000;
	[sflag:s18] =	ssyncadd.s32 $0xFFFFF800  }
0x86: {  	v0 =	vld [tilespmem:s31+$0x0];
	_ =	sdelay $0x1  }
0x87: {  	v3 =	vadd.s32 s30, v1;
	v1 =	vld [tilespmem:$0x1FD00];
	_ =	sdelay $0x2  }
0x88: {  	v0 =	vmul.u32 $0x18, v0  }
0x89: {  	v3 =	vand.u32 $0x1FF80, v3  }
0x8a: {  	v3 =	vor.u32 v1, v3  }
0x8b: {  	v4 =	vor.u32 $0x4, v0  }
0x8c: {  	v6 =	vor.u32 $0x2, v0  }
0x8d: {  	v8 =	vadd.s32 $0xC, v0  }
0x8e: {  	v7 =	vadd.s32 $0x8, v0;
	v1 =	vmov v11;
	v11 =	vld.idx.msk [tilespmem:v0+s12+$0x0], $0xffff  }
0x8f: {  	v60 =	vmov v12;
	v12 =	vld.idx.msk [tilespmem:v3+s2+$0x0], $0xffff;
	v3 =	vadd.s32 $0x14, v0  }
0x90: {  	v19 =	vmov v13;
	v5 =	vor.u32 $0x6, v0;
	v13 =	vld.idx.msk [tilespmem:v4+s12+$0x0], $0xffff  }
0x91: {  	v9 =	vadd.s32 $0xD, v0;
	v6 =	vld.idx.msk [tilespmem:v6+s12+$0x0], $0xffff  }
0x92: {  	v26 =	vadd.s32 $0x9, v0;
	v2 =	vld.idx.msk [tilespmem:v8+s12+$0x0], $0xffff  }
0x93: {  	v30 =	vmov v16;
	v28 =	vadd.s32 $0x10, v0;
	v16 =	vld.idx.msk [tilespmem:v7+s12+$0x0], $0xffff  }
0x94: {  	v7 =	vor.u32 $0x3, v0;
	v3 =	vld.idx.msk [tilespmem:v3+s12+$0x0], $0xffff  }
0x95: {  	v20 =	vmov v14;
	v14 =	vld.idx.msk [tilespmem:v5+s12+$0x0], $0xffff;
	v8 =	vadd.s32 $0x11, v0  }
0x96: {  	v4 =	vadd.s32 s30, v29;
	v5 =	vmov v15;
	v15 =	vadd.s32 $0x15, v0;
	v9 =	vld.idx.msk [tilespmem:v9+s12+$0x0], $0xffff  }
0x97: {  	v26 =	vld.idx.msk [tilespmem:v26+s12+$0x0], $0xffff;
	v4 =	vand.u32 $0x1FF80, v4;
	[tilespmem:$0x1FC40] =	vst v2;
	v2 =	vmovc v50;
	v50 =	vmov v51;
	v51 =	vadd.s32 $0xE, v0  }
0x98: {  	v28 =	vld.idx.msk [tilespmem:v28+s12+$0x0], $0xffff;
	[tilespmem:$0x1FCC0] =	vst v6;
	v6 =	vor.u32 v5, v4  }
0x99: {  	v24 =	vld.idx.msk [tilespmem:v7+s12+$0x0], $0xffff;
	v11 =	vmul.f32 v12, v11;
	v12 =	vadd.s32 $0xB, v0;
	[tilespmem:$0x1FC60] =	vst v3;
	v3 =	vadd.s32 s30, v19  }
0x9a: {  	v5 =	vmov v48;
	v48 =	vld.idx.msk [tilespmem:v8+s12+$0x0], $0xffff;
	v3 =	vand.u32 $0x1FF80, v3  }
0x9b: {  	v19 =	vor.u32 v20, v3;
	v3 =	vld.idx.msk [tilespmem:v15+s12+$0x0], $0xffff;
	v15 =	vadd.s32 $0x12, v0  }
0x9c: {  	v17 =	vadd.s32 $0x16, v0;
	v51 =	vld.idx.msk [tilespmem:v51+s12+$0x0], $0xffff  }
0x9d: {  	v20 =	vld.idx.msk [tilespmem:v6+s2+$0x0], $0xffff;
	v6 =	vmov v22;
	v22 =	vadd.s32 s30, v22  }
0x9e: {  	s25 =	simm.s32 $0x18010;
	v12 =	vld.idx.msk [tilespmem:v12+s12+$0x0], $0xffff;
	v8 =	vand.u32 $0x1FF80, v22;
	v22 =	vadd.s32 s30, v53  }
0x9f: {  	v7 =	vadd.s32 s30, v34;
	v53 =	vor.u32 v30, v8;
	v22 =	vand.u32 $0x1FF80, v22;
	v8 =	vld [tilespmem:s25+$0x0]  }
0xa0: {  	v22 =	vor.u32 v55, v22;
	v55 =	vadd.s32 $0x17, v0;
	v4 =	vld.idx.msk [tilespmem:v15+s12+$0x0], $0xffff;
	v15 =	vadd.s32 s30, v43  }
0xa1: {  	[tilespmem:$0x1FC80] =	vst v3;
	v3 =	vld.idx.msk [tilespmem:v17+s12+$0x0], $0xffff;
	v17 =	vand.u32 $0x1FF80, v7;
	v7 =	vadd.s32 s30, v60;
	v15 =	vand.u32 $0x1FF80, v15  }
0xa2: {  	v15 =	vor.u32 v1, v15;
	v1 =	vadd.f32 v11, v10;
	v11 =	vor.u32 v5, v17;
	v5 =	vld [tilespmem:$0x1FD70]  }
0xa3: {  	v23 =	vor.u32 $0x5, v0;
	v19 =	vld.idx.msk [tilespmem:v19+s2+$0x0], $0xffff;
	v52 =	vand.u32 $0x1FF80, v7  }
0xa4: {  	v52 =	vor.u32 v41, v52;
	v53 =	vld.idx.msk [tilespmem:v53+s2+$0x0], $0xffff  }
0xa5: {  	v27 =	vadd.s32 s30, v33;
	v7 =	vmovc v56;
	v56 =	vadd.s32 s30, v63;
	v63 =	vadd.s32 s30, v57;
	v22 =	vld.idx.msk [tilespmem:v22+s2+$0x0], $0xffff  }
0xa6: {  	v27 =	vand.u32 $0x1FF80, v27;
	v30 =	vmov v57;
	v17 =	vld.idx.msk [tilespmem:v55+s12+$0x0], $0xffff;
	v57 =	vand.u32 $0x1FF80, v63  }
0xa7: {  	[tilespmem:$0x1FC90] =	vst v3;
	v57 =	vor.u32 v59, v57;
	v59 =	vadd.s32 $0x13, v0;
	v27 =	vor.u32 v5, v27;
	v5 =	vld [tilespmem:$0x1FD40]  }
0xa8: {  	v25 =	vadd.s32 s30, v47;
	v3 =	vmovc v29;
	[tilespmem:$0x1FCA0] =	vst v4;
	v4 =	vld.idx.msk [tilespmem:v23+s12+$0x0], $0xffff;
	v29 =	vmov v54;
	v54 =	vadd.s32 s30, v54  }
0xa9: {  	v25 =	vand.u32 $0x1FF80, v25;
	v54 =	vand.u32 $0x1FF80, v54;
	v52 =	vld.idx.msk [tilespmem:v52+s2+$0x0], $0xffff  }
0xaa: {  	v10 =	vadd.s32 s30, v18;
	v23 =	vor.u32 $0x1, v0;
	v54 =	vor.u32 v7, v54;
	v7 =	vld [tilespmem:$0x1FD50]  }
0xab: {  	v25 =	vor.u32 v36, v25;
	v10 =	vand.u32 $0x1FF80, v10;
	v15 =	vld.idx.msk [tilespmem:v15+s2+$0x0], $0xffff  }
0xac: {  	v55 =	vand.u32 $0x1FF80, v56;
	v56 =	vld.idx.msk [tilespmem:v59+s12+$0x0], $0xffff;
	v59 =	vor.u32 v5, v10;
	v5 =	vmul.f32 v19, v14  }
0xad: {  	v11 =	vld.idx.msk [tilespmem:v11+s2+$0x0], $0xffff  }
0xae: {  	[tilespmem:$0x1FCF0] =	vst v5;
	v5 =	vld [tilespmem:$0x1FD10]  }
0xaf: {  	v63 =	vadd.s32 s30, v58;
	v23 =	vld.idx.msk [tilespmem:v23+s12+$0x0], $0xffff  }
0xb0: {  	v31 =	vmov v58;
	v58 =	vand.u32 $0x1FF80, v63;
	v63 =	vadd.s32 $0xF, v0;
	v19 =	vld.idx.msk [tilespmem:v25+s2+$0x0], $0xffff  }
0xb1: {  	[tilespmem:$0x1FCB0] =	vst v4;
	v4 =	vor.u32 $0x7, v0;
	v0 =	vadd.s32 $0xA, v0;
	v27 =	vld.idx.msk [tilespmem:v27+s2+$0x0], $0xffff  }
0xb2: {  	v14 =	vmul.f32 v20, v16;
	v16 =	vadd.s32 s30, v61;
	v25 =	vadd.s32 s30, v50;
	v54 =	vld.idx.msk [tilespmem:v54+s2+$0x0], $0xffff  }
0xb3: {  	v52 =	vmul.f32 v52, v13;
	v16 =	vand.u32 $0x1FF80, v16;
	v20 =	vadd.s32 s30, v5;
	v5 =	vld [tilespmem:$0x1FD30]  }
0xb4: {  	v15 =	vmul.f32 v15, v24;
	v24 =	vld.idx.msk [tilespmem:v57+s2+$0x0], $0xffff;
	v25 =	vand.u32 $0x1FF80, v25;
	v16 =	vor.u32 v62, v16  }
0xb5: {  	v57 =	vld.idx.msk [tilespmem:v63+s12+$0x0], $0xffff;
	v25 =	vor.u32 v44, v25  }
0xb6: {  	v52 =	vadd.f32 v52, v1;
	v1 =	vld [tilespmem:$0x1FC40]  }
0xb7: {  	v49 =	vadd.s32 s30, v37;
	v61 =	vld.idx.msk [tilespmem:v0+s12+$0x0], $0xffff  }
0xb8: {  	v49 =	vand.u32 $0x1FF80, v49;
	v44 =	vmul.f32 v22, v48;
	v13 =	vadd.s32 s30, v5;
	v5 =	vld [tilespmem:$0x1FED0]  }
0xb9: {  	v22 =	vadd.s32 s30, v46;
	v46 =	vadd.s32 s30, v45;
	v45 =	vadd.s32 s30, v40;
	v16 =	vld.idx.msk [tilespmem:v16+s2+$0x0], $0xffff  }
0xba: {  	s26 =	simm.s32 $0x180;
	v62 =	vand.u32 $0x1FF80, v45;
	v45 =	vmul.f32 v11, v51;
	v51 =	vor.u32 v35, v49;
	v25 =	vld.idx.msk [tilespmem:v25+s2+$0x0], $0xffff  }
0xbb: {  	v63 =	vor.u32 v2, v62;
	v62 =	vadd.s32 s26, v47;
	v47 =	vld.idx.msk [tilespmem:v4+s12+$0x0], $0xffff  }
0xbc: {  	v49 =	vmul.f32 v27, v17;
	v17 =	vmul.f32 v54, v1;
	v1 =	vld [tilespmem:$0x1FD80]  }
0xbd: {  	v48 =	vand.u32 $0x1FF80, v46;
	v50 =	vor.u32 v5, v55;
	v5 =	vld [tilespmem:$0x1FD20]  }
0xbe: {  	v48 =	vor.u32 v39, v48;
	v27 =	vadd.s32 s26, v6;
	v6 =	vld [tilespmem:$0x1FCA0]  }
0xbf: {  	v32 =	vadd.s32 s30, v21;
	v25 =	vmul.f32 v25, v57;
	v57 =	vmul.f32 v16, v56;
	v16 =	vld.idx.msk [tilespmem:v51+s2+$0x0], $0xffff  }
0xc0: {  	v32 =	vand.u32 $0x1FF80, v32;
	v2 =	vadd.s32 s26, v3;
	v3 =	vld [tilespmem:$0x1FC80]  }
0xc1: {  	v35 =	vadd.s32 s26, v21;
	v20 =	vand.u32 $0x1FF80, v20;
	v21 =	vor.u32 v1, v32;
	v1 =	vld [tilespmem:$0x1FD60]  }
0xc2: {  	v59 =	vld.idx.msk [tilespmem:v59+s2+$0x0], $0xffff;
	v13 =	vand.u32 $0x1FF80, v13;
	v55 =	vor.u32 v5, v20  }
0xc3: {  	v13 =	vor.u32 v42, v13;
	v20 =	vmul.f32 v24, v9;
	v9 =	vld.idx.msk [tilespmem:v48+s2+$0x0], $0xffff  }
0xc4: {  	v14 =	vadd.f32 v14, v52;
	v24 =	vmul.f32 v16, v6;
	v6 =	vld [tilespmem:$0x1FCB0]  }
0xc5: {  	v58 =	vor.u32 v7, v58;
	v22 =	vand.u32 $0x1FF80, v22;
	v4 =	vadd.s32 s26, v29;
	v29 =	vmovc v7;
	v7 =	vld [tilespmem:$0x1FEF0]  }
0xc6: {  	v22 =	vor.u32 v38, v22;
	v14 =	vadd.f32 v17, v14;
	v17 =	vadd.s32 s26, v1;
	v1 =	vld [tilespmem:$0x1FC50]  }
0xc7: {  	v28 =	vmul.f32 v59, v28;
	v5 =	vmul.f32 v19, v26;
	v26 =	vld.idx.msk [tilespmem:v55+s2+$0x0], $0xffff;
	v55 =	vmul.u32 $0x18, v8  }
0xc8: {  	v13 =	vld.idx.msk [tilespmem:v13+s2+$0x0], $0xffff  }
0xc9: {  	v14 =	vadd.f32 v28, v14;
	v8 =	vmul.f32 v9, v6;
	v6 =	vld [tilespmem:$0x1FCC0];
	v28 =	vor.u32 $0x2, v55  }
0xca: {  	v18 =	vld.idx.msk [tilespmem:v58+s2+$0x0], $0xffff  }
0xcb: {  	v15 =	vadd.f32 v15, v1;
	v1 =	vld [tilespmem:$0x1FD00]  }
0xcc: {  	v22 =	vld.idx.msk [tilespmem:v22+s2+$0x0], $0xffff  }
0xcd: {  	v50 =	vld.idx.msk [tilespmem:v50+s2+$0x0], $0xffff  }
0xce: {  	v9 =	vmul.f32 v13, v6;
	v6 =	vld.idx.msk [tilespmem:v28+s12+$0x0], $0xffff;
	v28 =	vand.u32 $0x1FF80, v2  }
0xcf: {  	v17 =	vand.u32 $0x1FF80, v17;
	v28 =	vor.u32 v7, v28;
	v7 =	vld [tilespmem:$0x1FCE0]  }
0xd0: {  	v46 =	vadd.s32 s26, v34;
	v17 =	vor.u32 v1, v17;
	v1 =	vld [tilespmem:$0x1FC60]  }
0xd1: {  	v59 =	vand.u32 $0x1FF80, v46;
	v46 =	vld.idx.msk [tilespmem:v63+s2+$0x0], $0xffff  }
0xd2: {  	v21 =	vld.idx.msk [tilespmem:v21+s2+$0x0], $0xffff  }
0xd3: {  	v63 =	vmul.f32 v50, v3;
	v3 =	vld [tilespmem:$0x1FC90];
	v51 =	vor.u32 $0x4, v55  }
0xd4: {  	v9 =	vadd.f32 v9, v7;
	v7 =	vld [tilespmem:$0x1FF10]  }
0xd5: {  	v22 =	vmul.f32 v22, v47;
	v48 =	vadd.s32 $0x8, v55;
	v18 =	vmul.f32 v18, v1;
	v1 =	vld [tilespmem:$0x1FC70]  }
0xd6: {  	v60 =	vadd.s32 s26, v60;
	v16 =	vadd.s32 $0xD, v55;
	v17 =	vld.idx.msk [tilespmem:v17+s2+$0x0], $0xffff  }
0xd7: {  	v12 =	vmul.f32 v46, v12;
	v15 =	vadd.f32 v22, v15;
	v22 =	vadd.s32 $0x16, v55;
	v47 =	vld.idx.msk [tilespmem:v55+s12+$0x0], $0xffff  }
0xd8: {  	v0 =	vand.u32 $0x1FF80, v60;
	v56 =	vor.u32 $0x5, v55;
	v23 =	vmul.f32 v26, v23;
	v60 =	vld.idx.msk [tilespmem:v51+s12+$0x0], $0xffff  }
0xd9: {  	v12 =	vadd.f32 v12, v15;
	v15 =	vadd.s32 s26, v7;
	v7 =	vld [tilespmem:$0x1FCF0]  }
0xda: {  	v2 =	vld.idx.msk [tilespmem:v48+s12+$0x0], $0xffff;
	v23 =	vadd.f32 v23, v1  }
0xdb: {  	v3 =	vmul.f32 v21, v3;
	v21 =	vadd.s32 $0x14, v55;
	v58 =	vld.idx.msk [tilespmem:v16+s12+$0x0], $0xffff  }
0xdc: {  	v51 =	vld.idx.msk [tilespmem:v22+s12+$0x0], $0xffff;
	v8 =	vadd.f32 v8, v23  }
0xdd: {  	v11 =	vadd.f32 v18, v14;
	v14 =	vadd.s32 $0xC, v55;
	v56 =	vld.idx.msk [tilespmem:v56+s12+$0x0], $0xffff  }
0xde: {  	v8 =	vadd.f32 v5, v8;
	v5 =	vand.u32 $0x1FF80, v15;
	v15 =	vadd.f32 v7, v9;
	v9 =	vld [tilespmem:$0x1FEB0]  }
0xdf: {  	v13 =	vadd.s32 $0x12, v55;
	v7 =	vld [tilespmem:$0x1FEE0]  }
0xe0: {  	v52 =	vld.idx.msk [tilespmem:v21+s12+$0x0], $0xffff  }
0xe1: {  	v20 =	vadd.f32 v20, v8;
	v8 =	vld [tilespmem:$0x1FE20]  }
0xe2: {  	v53 =	vmul.f32 v53, v61;
	v10 =	vmul.f32 v17, v47;
	v17 =	vadd.s32 $0x15, v55;
	v61 =	vld.idx.msk [tilespmem:v14+s12+$0x0], $0xffff  }
0xe3: {  	v32 =	vadd.s32 s26, v33;
	v33 =	vadd.s32 s26, v37;
	v19 =	vadd.s32 s26, v9;
	v9 =	vld [tilespmem:$0x1FF00]  }
0xe4: {  	v54 =	vor.u32 $0x1, v55;
	v15 =	vadd.f32 v53, v15;
	v53 =	vld.idx.msk [tilespmem:v13+s12+$0x0], $0xffff;
	v7 =	vor.u32 v7, v5  }
0xe5: {  	v46 =	vadd.s32 $0x10, v55;
	v26 =	vadd.s32 s26, v43;
	v1 =	vor.u32 $0x6, v55;
	v13 =	vld [tilespmem:$0x1FE30]  }
0xe6: {  	v14 =	vadd.f32 v25, v12;
	v25 =	vadd.s32 s26, v8;
	v8 =	vadd.f32 v10, v11;
	v11 =	vld [tilespmem:$0x1FEA0]  }
0xe7: {  	v43 =	vadd.s32 $0x9, v55;
	[tilespmem:$0x1FCD0] =	vst v6;
	v6 =	vadd.s32 $0x11, v55;
	v50 =	vld.idx.msk [tilespmem:v17+s12+$0x0], $0xffff;
	v5 =	vand.u32 $0x1FF80, v27  }
0xe8: {  	v47 =	vor.u32 $0x3, v55;
	v10 =	vadd.s32 s26, v31;
	v23 =	vor.u32 v9, v5;
	v9 =	vld.idx.msk [tilespmem:v28+s2+$0x0], $0xffff  }
0xe9: {  	v12 =	vadd.s32 s26, v30;
	v17 =	vand.u32 $0x1FF80, v10;
	v10 =	vld.idx.msk [tilespmem:v7+s2+$0x0], $0xffff;
	v7 =	vand.u32 $0x1FF80, v25  }
0xea: {  	v18 =	vadd.s32 $0xE, v55;
	v12 =	vand.u32 $0x1FF80, v12;
	v28 =	vor.u32 v13, v7;
	v7 =	vld [tilespmem:$0x1FF20]  }
0xeb: {  	v21 =	vadd.s32 $0x17, v55;
	v1 =	vld.idx.msk [tilespmem:v1+s12+$0x0], $0xffff;
	v17 =	vor.u32 v29, v17;
	v16 =	vor.u32 v11, v12  }
0xec: {  	v12 =	vld.idx.msk [tilespmem:v6+s12+$0x0], $0xffff;
	v6 =	vor.u32 $0x7, v55;
	v11 =	vadd.f32 v44, v20;
	v22 =	vadd.f32 v45, v15  }
0xed: {  	v15 =	vand.u32 $0x1FF80, v33;
	v27 =	vand.u32 $0x1FF80, v26;
	v26 =	vadd.s32 $0xB, v55;
	v5 =	vld.idx.msk [tilespmem:v47+s12+$0x0], $0xffff  }
0xee: {  	v20 =	vadd.f32 v24, v22;
	v22 =	vadd.s32 $0xF, v55;
	v24 =	vand.u32 $0x1FF80, v19;
	v13 =	vld.idx.msk [tilespmem:v43+s12+$0x0], $0xffff  }
0xef: {  	s28 =	simm.s32 $0x300;
	v19 =	vand.u32 $0x1FF80, v35;
	v25 =	vand.u32 $0x1FF80, v32;
	v27 =	vor.u32 v7, v27;
	v7 =	vld.idx.msk [tilespmem:v46+s12+$0x0], $0xffff  }
.LBB2_3:
0xf0: {  	_ = 	snop  }
0xf1: {  	v57 =	vadd.f32 v57, v14;
	v14 =	vadd.f32 v3, v20;
	v3 =	vld [tilespmem:$0x1FD30];
	_ =	sdelay $0x4  }
0xf2: {  	v20 =	vadd.s32 s26, v3;
	v3 =	vld.idx.msk [tilespmem:v23+s2+$0x0], $0xffff  }
0xf3: {  	v23 =	vld [tilespmem:$0x1FE80];
	_ =	sdelay $0x1  }
0xf4: {  	v63 =	vadd.f32 v63, v11;
	v11 =	vld [tilespmem:$0x1FD40];
	_ =	sdelay $0x2  }
0xf5: {  	v23 =	vadd.s32 s26, v23  }
0xf6: {  	v23 =	vand.u32 $0x1FF80, v23  }
0xf7: {  	v23 =	vor.u32 v11, v23;
	v11 =	vld [tilespmem:$0x1FE50];
	_ =	sdelay $0x2  }
0xf8: {  	v18 =	vld.idx.msk [tilespmem:v18+s12+$0x0], $0xffff  }
0xf9: {  	v28 =	vld.idx.msk [tilespmem:v28+s2+$0x0], $0xffff;
	v4 =	vand.u32 $0x1FF80, v4  }
0xfa: {  	v4 =	vor.u32 v11, v4;
	v11 =	vld [tilespmem:$0x1FDE0]  }
0xfb: {  	v21 =	vld.idx.msk [tilespmem:v21+s12+$0x0], $0xffff  }
0xfc: {  	v2 =	vmul.f32 v9, v2;
	v9 =	vld [tilespmem:$0x1FD70]  }
0xfd: {  	v27 =	vld.idx.msk [tilespmem:v27+s2+$0x0], $0xffff  }
0xfe: {  	v10 =	vmul.f32 v10, v1;
	v1 =	vld.idx.msk [tilespmem:v26+s12+$0x0], $0xffff  }
0xff: {  	v26 =	vor.u32 v11, v59;
	v11 =	vld [tilespmem:$0x1FED0]  }
0x100: {  	v33 =	vld [tilespmem:$0x1FE00]  }
0x101: {  	v44 =	vld [tilespmem:$0x1FEC0]  }
0x102: {  	v45 =	vld [tilespmem:$0x1FE10]  }
0x103: {  	v46 =	vld [tilespmem:$0x1FD20]  }
0x104: {  	v24 =	vor.u32 v11, v24;
	v11 =	vld [tilespmem:$0x1FD10]  }
0x105: {  	v0 =	vor.u32 v41, v0;
	v16 =	vld.idx.msk [tilespmem:v16+s2+$0x0], $0xffff  }
0x106: {  	v22 =	vld.idx.msk [tilespmem:v22+s12+$0x0], $0xffff  }
0x107: {  	v62 =	vand.u32 $0x1FF80, v62;
	v29 =	vadd.s32 $0x13, v55;
	s25 =	sadd.s32 $0x10, s25;
	v17 =	vld.idx.msk [tilespmem:v17+s2+$0x0], $0xffff  }
0x108: {  	v30 =	vld [tilespmem:s25+$0x0];
	v62 =	vor.u32 v36, v62  }
0x109: {  	v9 =	vor.u32 v9, v25;
	v25 =	vadd.s32 s26, v11;
	v11 =	vld [tilespmem:$0x1FDF0]  }
0x10a: {  	v0 =	vld.idx.msk [tilespmem:v0+s2+$0x0], $0xffff  }
0x10b: {  	v6 =	vld.idx.msk [tilespmem:v6+s12+$0x0], $0xffff  }
0x10c: {  	v37 =	vadd.s32 $0xA, v55;
	v29 =	vld.idx.msk [tilespmem:v29+s12+$0x0], $0xffff;
	v20 =	vand.u32 $0x1FF80, v20  }
0x10d: {  	v5 =	vmul.f32 v27, v5;
	v62 =	vld.idx.msk [tilespmem:v62+s2+$0x0], $0xffff;
	v55 =	vmul.u32 $0x18, v30;
	v27 =	vor.u32 v42, v20  }
0x10e: {  	v47 =	vadd.s32 s26, v11;
	v11 =	vld [tilespmem:$0x1FFC0]  }
0x10f: {  	v30 =	vor.u32 $0x4, v55;
	v9 =	vld.idx.msk [tilespmem:v9+s2+$0x0], $0xffff;
	v0 =	vmul.f32 v0, v60  }
0x110: {  	v4 =	vld.idx.msk [tilespmem:v4+s2+$0x0], $0xffff  }
0x111: {  	v0 =	vadd.f32 v0, v8;
	v8 =	vld [tilespmem:$0x1FFD0]  }
0x112: {  	v27 =	vld.idx.msk [tilespmem:v27+s2+$0x0], $0xffff;
	v25 =	vand.u32 $0x1FF80, v25  }
0x113: {  	v25 =	vor.u32 v46, v25;
	v48 =	vadd.s32 s26, v11;
	v11 =	vld [tilespmem:$0x1FE90]  }
0x114: {  	v60 =	vld.idx.msk [tilespmem:v30+s12+$0x0], $0xffff  }
0x115: {  	v2 =	vadd.f32 v2, v0;
	v26 =	vld.idx.msk [tilespmem:v26+s2+$0x0], $0xffff;
	v4 =	vmul.f32 v4, v61  }
0x116: {  	v57 =	vadd.f32 v49, v57;
	v49 =	vmul.f32 v9, v21;
	v21 =	vld.idx.msk [tilespmem:v54+s12+$0x0], $0xffff  }
0x117: {  	v8 =	vadd.s32 s26, v8;
	v2 =	vadd.f32 v4, v2;
	v4 =	vld [tilespmem:$0x1FF40]  }
0x118: {  	v20 =	vand.u32 $0x1FF80, v8;
	v43 =	vand.u32 $0x1FF80, v47;
	v9 =	vld.idx.msk [tilespmem:v25+s2+$0x0], $0xffff;
	v32 =	vadd.s32 s26, v11  }
0x119: {  	v0 =	vld [tilespmem:$0x1FDC0];
	v11 =	vmul.f32 v28, v12;
	v12 =	vand.u32 $0x1FF80, v32;
	v32 =	vor.u32 v33, v43  }
0x11a: {  	s29 =	smov.u32 s28;
	v8 =	vmul.f32 v62, v13;
	v13 =	vmul.f32 v26, v18;
	v26 =	vld [tilespmem:$0x1FDD0];
	v47 =	vor.u32 v38, v20  }
0x11b: {  	v31 =	vadd.s32 s26, v40;
	v23 =	vld.idx.msk [tilespmem:v23+s2+$0x0], $0xffff;
	s26 =	smov.u32 s29  }
0x11c: {  	v33 =	vmul.f32 v16, v58;
	v16 =	vadd.s32 s26, v4;
	v4 =	vld [tilespmem:$0x1FD60];
	v12 =	vor.u32 v44, v12  }
0x11d: {  	v9 =	vmul.f32 v9, v21;
	v21 =	vld [tilespmem:$0x1FD00]  }
0x11e: {  	v15 =	vor.u32 v0, v15;
	v18 =	vld.idx.msk [tilespmem:v32+s2+$0x0], $0xffff  }
0x11f: {  	v32 =	vadd.s32 s26, v26;
	v26 =	vld.idx.msk [tilespmem:v47+s2+$0x0], $0xffff  }
0x120: {  	v0 =	vld [tilespmem:$0x1FD90];
	v23 =	vmul.f32 v23, v7  }
0x121: {  	v4 =	vadd.s32 s26, v4;
	v12 =	vld.idx.msk [tilespmem:v12+s2+$0x0], $0xffff  }
0x122: {  	v17 =	vmul.f32 v17, v52;
	v7 =	vld [tilespmem:$0x1FFE0];
	v2 =	vadd.f32 v23, v2;
	v4 =	vand.u32 $0x1FF80, v4  }
0x123: {  	v15 =	vld.idx.msk [tilespmem:v15+s2+$0x0], $0xffff;
	v21 =	vor.u32 v21, v4  }
0x124: {  	v17 =	vadd.f32 v17, v2;
	v2 =	vld [tilespmem:$0x1FF10];
	v6 =	vmul.f32 v26, v6;
	v26 =	vadd.s32 $0x8, v55  }
0x125: {  	v23 =	vld.idx.msk [tilespmem:v24+s2+$0x0], $0xffff  }
0x126: {  	v5 =	vadd.f32 v5, v57;
	v57 =	vmul.f32 v12, v29;
	v12 =	vld.idx.msk [tilespmem:v37+s12+$0x0], $0xffff  }
0x127: {  	v20 =	vadd.s32 s26, v0;
	v0 =	vld [tilespmem:$0x1FD80]  }
0x128: {  	v28 =	vand.u32 $0x1FF80, v48;
	v61 =	vld.idx.msk [tilespmem:v21+s2+$0x0], $0xffff  }
0x129: {  	v28 =	vor.u32 v39, v28;
	v43 =	vmovc v42;
	v42 =	vmul.f32 v15, v53;
	v15 =	vadd.s32 s26, v2;
	v2 =	vld.idx.msk [tilespmem:v26+s12+$0x0], $0xffff  }
0x12a: {  	v44 =	vmov v40;
	v40 =	vadd.s32 $0x12, v55;
	v26 =	vld [tilespmem:$0x1FCD0]  }
0x12b: {  	v48 =	vmul.f32 v3, v12;
	v12 =	vld.idx.msk [tilespmem:v55+s12+$0x0], $0xffff  }
0x12c: {  	v9 =	vadd.f32 v9, v63;
	v63 =	vmul.f32 v23, v50;
	v23 =	vld [tilespmem:$0x1FEF0]  }
0x12d: {  	v19 =	vor.u32 v0, v19;
	v0 =	vld [tilespmem:$0x1FFA0]  }
0x12e: {  	v28 =	vld.idx.msk [tilespmem:v28+s2+$0x0], $0xffff  }
0x12f: {  	v53 =	vld.idx.msk [tilespmem:v40+s12+$0x0], $0xffff  }
0x130: {  	v31 =	vand.u32 $0x1FF80, v31;
	v26 =	vmul.f32 v27, v26;
	v27 =	vmul.f32 v61, v12;
	v12 =	vld [tilespmem:$0x1FEE0]  }
0x131: {  	v31 =	vor.u32 v45, v31;
	v40 =	vmov v44;
	v44 =	vld [tilespmem:$0x1FD50]  }
0x132: {  	v58 =	vadd.s32 $0xC, v55;
	v16 =	vand.u32 $0x1FF80, v16;
	v4 =	vld [tilespmem:$0x1FFB0]  }
0x133: {  	v16 =	vor.u32 v23, v16;
	v25 =	vadd.s32 s26, v0;
	v0 =	vld [tilespmem:$0x1FDB0];
	v23 =	vmul.f32 v28, v56  }
0x134: {  	v15 =	vand.u32 $0x1FF80, v15;
	v37 =	vadd.s32 $0xD, v55;
	v56 =	vadd.f32 v6, v5;
	v6 =	vld [tilespmem:$0x1FF00]  }
0x135: {  	v15 =	vor.u32 v12, v15;
	v12 =	vadd.f32 v23, v9;
	v23 =	vld [tilespmem:$0x1FEB0]  }
0x136: {  	v22 =	vmul.f32 v18, v22;
	v18 =	vld.idx.msk [tilespmem:v31+s2+$0x0], $0xffff  }
0x137: {  	v19 =	vld.idx.msk [tilespmem:v19+s2+$0x0], $0xffff  }
0x138: {  	v24 =	vor.u32 $0x2, v55;
	v61 =	vld.idx.msk [tilespmem:v58+s12+$0x0], $0xffff  }
0x139: {  	v58 =	vld.idx.msk [tilespmem:v37+s12+$0x0], $0xffff;
	v9 =	vand.u32 $0x1FF80, v25  }
0x13a: {  	v37 =	vadd.s32 s26, v23;
	v23 =	vor.u32 v6, v9;
	v6 =	vld [tilespmem:$0x1FE20]  }
0x13b: {  	v29 =	vadd.s32 s26, v4;
	v4 =	vld [tilespmem:$0x1FE40];
	v0 =	vadd.s32 s26, v0  }
0x13c: {  	v59 =	vand.u32 $0x1FF80, v0;
	v0 =	vld [tilespmem:$0x1FDA0]  }
0x13d: {  	v3 =	vmul.f32 v19, v51;
	v19 =	vld.idx.msk [tilespmem:v24+s12+$0x0], $0xffff  }
0x13e: {  	v24 =	vor.u32 $0x3, v55;
	v9 =	vld.idx.msk [tilespmem:v16+s2+$0x0], $0xffff  }
0x13f: {  	v31 =	vor.u32 $0x6, v55;
	v25 =	vadd.s32 s26, v6;
	v6 =	vadd.f32 v26, v14;
	v14 =	vld [tilespmem:$0x1FE70]  }
0x140: {  	v45 =	vmov v41;
	v41 =	vadd.s32 $0x16, v55;
	v16 =	vld [tilespmem:$0x1FE60]  }
0x141: {  	v34 =	vor.u32 $0x5, v55;
	v30 =	vadd.s32 $0x11, v55;
	v8 =	vadd.f32 v8, v12;
	v12 =	vld [tilespmem:$0x1FEA0]  }
0x142: {  	v46 =	vmovc v39;
	v62 =	vadd.s32 s26, v7;
	v39 =	vmul.f32 v18, v1;
	v7 =	vadd.s32 s26, v0;
	v0 =	vld [tilespmem:$0x1FF30];
	v5 =	vmovc v19  }
0x143: {  	v35 =	vadd.s32 $0x9, v55;
	v54 =	vor.u32 $0x1, v55;
	[tilespmem:$0x1FCD0] =	vst v5;
	v5 =	vld.idx.msk [tilespmem:v24+s12+$0x0], $0xffff;
	v24 =	vadd.f32 v10, v6  }
0x144: {  	v21 =	vadd.s32 $0x14, v55;
	v1 =	vld.idx.msk [tilespmem:v31+s12+$0x0], $0xffff;
	v28 =	vadd.f32 v39, v56;
	v14 =	vadd.s32 s26, v14  }
0x145: {  	v51 =	vld.idx.msk [tilespmem:v41+s12+$0x0], $0xffff;
	v19 =	vadd.s32 s26, v16;
	v24 =	vadd.f32 v48, v24;
	v14 =	vand.u32 $0x1FF80, v14  }
0x146: {  	v16 =	vor.u32 v12, v14;
	v14 =	vadd.f32 v22, v28;
	v22 =	vand.u32 $0x1FF80, v25;
	v25 =	vld [tilespmem:$0x1FE30]  }
0x147: {  	v47 =	vadd.s32 $0x10, v55;
	v29 =	vand.u32 $0x1FF80, v29;
	v31 =	vadd.s32 $0x15, v55;
	v12 =	vld.idx.msk [tilespmem:v30+s12+$0x0], $0xffff  }
0x148: {  	v18 =	vadd.s32 $0xE, v55;
	v0 =	vadd.s32 s26, v0;
	v30 =	vadd.f32 v13, v24;
	v13 =	vld [tilespmem:$0x1FF20]  }
0x149: {  	p0 =	sne.s32 s28, $0xBE80;
	v4 =	vadd.s32 s26, v4;
	v52 =	vld.idx.msk [tilespmem:v21+s12+$0x0], $0xffff;
	v21 =	vadd.s32 $0x17, v55;
	v0 =	vand.u32 $0x1FF80, v0  }
.Ltmp0:
0x14a: {  	v56 =	vld.idx.msk [tilespmem:v34+s12+$0x0], $0xffff;
	v26 =	vadd.s32 $0xB, v55;
	v19 =	vand.u32 $0x1FF80, v19;
	v6 =	vor.u32 $0x7, v55;
	(pc) =	sbr.rel @p0 .LBB2_3-.Ltmp0, $4  }
0x14b: {  	v10 =	vld.idx.msk [tilespmem:v15+s2+$0x0], $0xffff;
	v15 =	vand.u32 $0x1FF80, v32;
	v24 =	vand.u32 $0x1FF80, v37;
	v28 =	vor.u32 v25, v22  }
0x14c: {  	v41 =	vmovc v45;
	v50 =	vld.idx.msk [tilespmem:v31+s12+$0x0], $0xffff;
	v25 =	vand.u32 $0x1FF80, v7;
	v7 =	vadd.f32 v33, v8;
	v8 =	vadd.f32 v27, v17  }
0x14d: {  	v39 =	vmovc v46;
	v22 =	vadd.s32 $0xF, v55;
	v27 =	vor.u32 v13, v29;
	v13 =	vld.idx.msk [tilespmem:v35+s12+$0x0], $0xffff;
	v17 =	vor.u32 v44, v19  }
0x14e: {  	s28 =	sadd.s32 $0x180, s28;
	v19 =	vand.u32 $0x1FF80, v20;
	v20 =	vadd.f32 v42, v30;
	v42 =	vmovc v43;
	v11 =	vadd.f32 v11, v7;
	v7 =	vld.idx.msk [tilespmem:v47+s12+$0x0], $0xffff  }
0x14f: {  	_ =	sdelay $0x3  }
0x150: {  	v18 =	vld.idx.msk [tilespmem:v18+s12+$0x0], $0xffff  }
0x151: {  	v23 =	vld.idx.msk [tilespmem:v23+s2+$0x0], $0xffff  }
0x152: {  	v28 =	vld.idx.msk [tilespmem:v28+s2+$0x0], $0xffff  }
0x153: {  	v26 =	vld.idx.msk [tilespmem:v26+s12+$0x0], $0xffff  }
0x154: {  	v31 =	vld [tilespmem:$0x1FDE0]  }
0x155: {  	v21 =	vld.idx.msk [tilespmem:v21+s12+$0x0], $0xffff  }
0x156: {  	v32 =	vld [tilespmem:$0x1FE80]  }
0x157: {  	v33 =	vld [tilespmem:$0x1FD70]  }
0x158: {  	v46 =	vld [tilespmem:$0x1FE50]  }
0x159: {  	v47 =	vld [tilespmem:$0x1FD40]  }
0x15a: {  	v27 =	vld.idx.msk [tilespmem:v27+s2+$0x0], $0xffff  }
0x15b: {  	v48 =	vld [tilespmem:$0x1FE90]  }
0x15c: {  	v34 =	vld [tilespmem:$0x1FDF0]  }
0x15d: {  	v35 =	vld [tilespmem:$0x1FD10]  }
0x15e: {  	v37 =	vld [tilespmem:$0x1FEC0]  }
0x15f: {  	v45 =	vld [tilespmem:$0x1FD20]  }
0x160: {  	v30 =	vand.u32 $0x1FF80, v62;
	v62 =	vld [tilespmem:$0x1FFD0]  }
0x161: {  	v0 =	vor.u32 v41, v0;
	v16 =	vld.idx.msk [tilespmem:v16+s2+$0x0], $0xffff  }
0x162: {  	v29 =	vadd.s32 $0x13, v55;
	v22 =	vld.idx.msk [tilespmem:v22+s12+$0x0], $0xffff  }
0x163: {  	v43 =	vld [tilespmem:$0x1FFC0]  }
0x164: {  	v17 =	vld.idx.msk [tilespmem:v17+s2+$0x0], $0xffff  }
0x165: {  	v6 =	vld.idx.msk [tilespmem:v6+s12+$0x0], $0xffff  }
0x166: {  	v0 =	vld.idx.msk [tilespmem:v0+s2+$0x0], $0xffff  }
0x167: {  	v30 =	vor.u32 v36, v30;
	v29 =	vld.idx.msk [tilespmem:v29+s12+$0x0], $0xffff  }
0x168: {  	v4 =	vand.u32 $0x1FF80, v4;
	v31 =	vor.u32 v31, v59;
	v59 =	vld [tilespmem:$0x1FE00]  }
0x169: {  	v4 =	vor.u32 v46, v4;
	v46 =	vadd.s32 s26, v40;
	v40 =	vld.idx.msk [tilespmem:v54+s12+$0x0], $0xffff  }
0x16a: {  	v25 =	vor.u32 v33, v25;
	v33 =	vadd.s32 s26, v48;
	v48 =	vmovc v36;
	v36 =	vadd.s32 s26, v62;
	v62 =	vld [tilespmem:$0x1FED0]  }
0x16b: {  	v54 =	vld [tilespmem:$0x1FDC0];
	v33 =	vand.u32 $0x1FF80, v33  }
0x16c: {  	v32 =	vadd.s32 s26, v32;
	v30 =	vld.idx.msk [tilespmem:v30+s2+$0x0], $0xffff;
	v33 =	vor.u32 v37, v33;
	v37 =	vadd.s32 s26, v43  }
0x16d: {  	v35 =	vadd.s32 s26, v35;
	v32 =	vand.u32 $0x1FF80, v32;
	v43 =	vld [tilespmem:$0x1FE10];
	v37 =	vand.u32 $0x1FF80, v37  }
0x16e: {  	v32 =	vor.u32 v47, v32;
	v37 =	vor.u32 v39, v37;
	v39 =	vadd.s32 $0xA, v55;
	v55 =	vld [tilespmem:$0x1FD80]  }
0x16f: {  	v35 =	vand.u32 $0x1FF80, v35;
	v31 =	vld.idx.msk [tilespmem:v31+s2+$0x0], $0xffff  }
0x170: {  	v34 =	vadd.s32 s26, v34;
	v36 =	vand.u32 $0x1FF80, v36;
	v35 =	vor.u32 v45, v35;
	v25 =	vld.idx.msk [tilespmem:v25+s2+$0x0], $0xffff  }
0x171: {  	v34 =	vand.u32 $0x1FF80, v34;
	v36 =	vor.u32 v38, v36;
	v4 =	vld.idx.msk [tilespmem:v4+s2+$0x0], $0xffff  }
0x172: {  	v34 =	vor.u32 v59, v34;
	v59 =	vld [tilespmem:$0x1FD30]  }
0x173: {  	v32 =	vld.idx.msk [tilespmem:v32+s2+$0x0], $0xffff  }
0x174: {  	v33 =	vld.idx.msk [tilespmem:v33+s2+$0x0], $0xffff  }
0x175: {  	v24 =	vor.u32 v62, v24;
	v35 =	vld.idx.msk [tilespmem:v35+s2+$0x0], $0xffff  }
0x176: {  	v38 =	vand.u32 $0x1FF80, v46;
	v15 =	vor.u32 v54, v15;
	v36 =	vld.idx.msk [tilespmem:v36+s2+$0x0], $0xffff  }
0x177: {  	v38 =	vor.u32 v43, v38;
	v37 =	vld.idx.msk [tilespmem:v37+s2+$0x0], $0xffff;
	v47 =	vadd.s32 s26, v59  }
0x178: {  	v46 =	vmov v41;
	v19 =	vor.u32 v55, v19;
	v39 =	vld.idx.msk [tilespmem:v39+s12+$0x0], $0xffff;
	v41 =	vand.u32 $0x1FF80, v47  }
0x179: {  	p0 =	seq.s32 s23, $0x18;
	v34 =	vld.idx.msk [tilespmem:v34+s2+$0x0], $0xffff;
	v41 =	vor.u32 v42, v41  }
0x17a: {  	s24 =	sadd.s32 @!p0 s24, s7;
	v24 =	vld.idx.msk [tilespmem:v24+s2+$0x0], $0xffff  }
0x17b: {  	s25 =	smul.u32 @!p0 $0x3, s24;
	v15 =	vld.idx.msk [tilespmem:v15+s2+$0x0], $0xffff  }
0x17c: {  	v38 =	vld.idx.msk [tilespmem:v38+s2+$0x0], $0xffff  }
0x17d: {  	s24 =	sshrl.u32 @!p0 s24, $0x3;
	s25 =	sadd.s32 @!p0 s3, s25;
	s26 =	simm.s32 @!p0 $0x0;
	v19 =	vld.idx.msk [tilespmem:v19+s2+$0x0], $0xffff  }
0x17e: {  	v41 =	vld.idx.msk [tilespmem:v41+s2+$0x0], $0xffff;
	[tilespmem:s26], [sflag:$0x1] =	stream.linear.gather @!p0 [hbm4b:s25+s26], $0xC000, $0x38  }
0x17f: {  	s24 =	sadd.s32 @!p0 s4, s24;
	s25 =	simm.s32 @!p0 $0x18000  }
0x180: {  	[tilespmem:s25], [sflag:$0x3] =	stream.linear.gather @!p0 [hbm4b:s24+s26], $0x800, $0x38;
	[tilespmem:$0x19300] =	vst v63  }
0x181: {  	_ =	swait.ge [sflag:s19], $0xC000  }
0x182: {  	v0 =	vmul.f32 v0, v60;
	[sflag:s19] =	ssyncset.done $0x0  }
0x183: {  	v14 =	vadd.f32 v57, v14;
	v2 =	vmul.f32 v9, v2;
	v1 =	vmul.f32 v10, v1;
	[sflag:s19] =	ssyncadd.s32 $0xFFFF4000  }
0x184: {  	v10 =	vadd.f32 v63, v11;
	v9 =	vmul.f32 v28, v12;
	v0 =	vadd.f32 v0, v8;
	_ =	swait.ge [sflag:s20], $0x800  }
0x185: {  	v14 =	vadd.f32 v49, v14;
	v12 =	vmul.f32 v31, v18;
	v18 =	vmul.f32 v35, v40;
	v54 =	vld [tilespmem:$0x1FD60]  }
0x186: {  	v5 =	vmul.f32 v27, v5;
	v0 =	vadd.f32 v2, v0;
	v2 =	vmul.f32 v4, v61;
	v61 =	vld [tilespmem:$0x1FD00]  }
0x187: {  	v11 =	vmul.f32 v30, v13;
	v10 =	vadd.f32 v18, v10;
	v18 =	vld [tilespmem:$0x1FCD0]  }
0x188: {  	v5 =	vadd.f32 v5, v14;
	v6 =	vmul.f32 v36, v6;
	v19 =	vmul.f32 v19, v51;
	v51 =	vld [tilespmem:$0x1FD90]  }
0x189: {  	v13 =	vmul.f32 v25, v21;
	v14 =	vmul.f32 v34, v22;
	v60 =	vld [tilespmem:$0x1FFA0]  }
0x18a: {  	v5 =	vadd.f32 v6, v5;
	v22 =	vmul.f32 v37, v56;
	v21 =	vmul.f32 v38, v26;
	v56 =	vld [tilespmem:$0x1FDB0]  }
0x18b: {  	v4 =	vmul.f32 v32, v7;
	[sflag:s20] =	ssyncset.done $0x0;
	v47 =	vld [tilespmem:$0x1FFE0]  }
0x18c: {  	s30 =	simm.s32 $0x18800;
	v2 =	vadd.f32 v2, v0;
	v15 =	vmul.f32 v15, v53;
	v5 =	vadd.f32 v21, v5;
	v53 =	vld [tilespmem:$0x1FDA0];
	[sflag:s20] =	ssyncadd.s32 $0xFFFFF800  }
0x18d: {  	v7 =	vmul.f32 v16, v58;
	v16 =	vmul.f32 v33, v29;
	v8 =	vld [tilespmem:s30+$0x0]  }
0x18e: {  	v2 =	vadd.f32 v4, v2;
	v4 =	vmul.f32 v17, v52;
	v5 =	vadd.f32 v14, v5;
	v57 =	vld [tilespmem:$0x1FDD0]  }
0x18f: {  	v55 =	vld [tilespmem:$0x1FEB0]  }
0x190: {  	v5 =	vadd.f32 v16, v5;
	v16 =	vadd.f32 v4, v2;
	v2 =	vld [tilespmem:$0x1FE20]  }
0x191: {  	s31 =	simm.s32 $0x0;
	v3 =	vadd.f32 v3, v20;
	v17 =	vmul.f32 v23, v39;
	v43 =	vld [tilespmem:$0x1FFB0];
	v18 =	vmul.f32 v41, v18  }
0x192: {  	v24 =	vmul.f32 v24, v50;
	v50 =	vld [tilespmem:$0x1FE30];
	v20 =	vadd.s32 s31, v54;
	v0 =	vmul.u32 $0x18, v8  }
0x193: {  	s24 =	simm.s32 $0x18810;
	v58 =	vld [tilespmem:$0x1FE70];
	v26 =	vadd.s32 s31, v47;
	v8 =	vand.u32 $0x1FF80, v20;
	v3 =	vadd.f32 v18, v3  }
0x194: {  	v40 =	vld [tilespmem:s24+$0x0];
	v37 =	vadd.s32 s31, v55;
	v26 =	vand.u32 $0x1FF80, v26;
	v8 =	vor.u32 v61, v8  }
0x195: {  	v37 =	vand.u32 $0x1FF80, v37;
	v26 =	vor.u32 v48, v26;
	v48 =	vld [tilespmem:$0x1FE80];
	v1 =	vadd.f32 v1, v3  }
0x196: {  	v37 =	vor.u32 v62, v37;
	v62 =	vld [tilespmem:$0x1FF60];
	v20 =	vor.u32 $0x4, v0  }
0x197: {  	v23 =	vor.u32 $0x6, v0;
	v1 =	vadd.f32 v17, v1;
	v17 =	vld [tilespmem:$0x1FF40]  }
0x198: {  	v10 =	vadd.f32 v22, v10;
	v18 =	vor.u32 $0x2, v0;
	v22 =	vld.idx.msk [tilespmem:v0+s12+$0x0], $0xffff  }
0x199: {  	v6 =	vadd.s32 $0x8, v0;
	v25 =	vld.idx.msk [tilespmem:v8+s15+$0x0], $0xffff  }
0x19a: {  	v27 =	vadd.s32 $0x9, v0;
	v12 =	vadd.f32 v12, v1;
	v1 =	vld [tilespmem:$0x1FEF0]  }
0x19b: {  	v3 =	vadd.f32 v11, v10;
	v30 =	vadd.s32 $0x10, v0;
	v11 =	vld.idx.msk [tilespmem:v20+s12+$0x0], $0xffff  }
0x19c: {  	v63 =	vadd.s32 $0xE, v0;
	v21 =	vld.idx.msk [tilespmem:v23+s12+$0x0], $0xffff  }
0x19d: {  	v7 =	vadd.f32 v7, v3;
	v3 =	vld.idx.msk [tilespmem:v18+s12+$0x0], $0xffff  }
0x19e: {  	v36 =	vadd.s32 $0x17, v0;
	v18 =	vld.idx.msk [tilespmem:v6+s12+$0x0], $0xffff  }
0x19f: {  	v41 =	vadd.s32 $0x13, v0;
	v27 =	vld.idx.msk [tilespmem:v27+s12+$0x0], $0xffff  }
0x1a0: {  	v10 =	vadd.s32 $0xC, v0;
	v30 =	vld.idx.msk [tilespmem:v30+s12+$0x0], $0xffff  }
0x1a1: {  	v32 =	vld.idx.msk [tilespmem:v63+s12+$0x0], $0xffff  }
0x1a2: {  	v8 =	vadd.s32 $0x14, v0;
	v63 =	vld [tilespmem:$0x1FE60]  }
0x1a3: {  	v20 =	vadd.s32 $0xD, v0;
	v36 =	vld.idx.msk [tilespmem:v36+s12+$0x0], $0xffff  }
0x1a4: {  	v6 =	vadd.f32 v9, v7;
	v9 =	vor.u32 $0x3, v0;
	v41 =	vld.idx.msk [tilespmem:v41+s12+$0x0], $0xffff;
	v17 =	vadd.s32 s31, v17  }
0x1a5: {  	v7 =	vadd.f32 v15, v12;
	v12 =	vld.idx.msk [tilespmem:v10+s12+$0x0], $0xffff;
	v17 =	vand.u32 $0x1FF80, v17  }
0x1a6: {  	v23 =	vadd.s32 $0x15, v0;
	v17 =	vor.u32 v1, v17;
	v1 =	vld [tilespmem:$0x1FF10]  }
0x1a7: {  	[tilespmem:$0x1FC10] =	vst v3;
	v3 =	vld.idx.msk [tilespmem:v8+s12+$0x0], $0xffff  }
0x1a8: {  	v15 =	vadd.s32 $0x11, v0;
	v10 =	vld.idx.msk [tilespmem:v20+s12+$0x0], $0xffff  }
0x1a9: {  	v6 =	vadd.f32 v24, v6;
	v20 =	vadd.s32 s31, v60;
	v24 =	vld.idx.msk [tilespmem:v9+s12+$0x0], $0xffff;
	v9 =	vadd.s32 s31, v56  }
0x1aa: {  	v28 =	vand.u32 $0x1FF80, v9;
	v9 =	vand.u32 $0x1FF80, v20;
	v20 =	vadd.s32 s31, v2;
	v2 =	vld [tilespmem:$0x1FF00]  }
0x1ab: {  	v4 =	vld.idx.msk [tilespmem:v23+s12+$0x0], $0xffff;
	v14 =	vadd.s32 s31, v1;
	v1 =	vadd.f32 v19, v7  }
0x1ac: {  	v8 =	vadd.s32 $0x16, v0;
	v39 =	vadd.s32 s31, v63;
	v63 =	vld [tilespmem:$0x1FEA0]  }
0x1ad: {  	[tilespmem:$0x1FC20] =	vst v1;
	v1 =	vld [tilespmem:$0x1FEE0]  }
0x1ae: {  	v23 =	vor.u32 $0x5, v0;
	v15 =	vld.idx.msk [tilespmem:v15+s12+$0x0], $0xffff;
	v20 =	vand.u32 $0x1FF80, v20  }
0x1af: {  	v20 =	vor.u32 v50, v20;
	v50 =	vld [tilespmem:$0x1FDE0];
	v49 =	vor.u32 v2, v9  }
0x1b0: {  	v17 =	vld.idx.msk [tilespmem:v17+s15+$0x0], $0xffff  }
0x1b1: {  	v7 =	vadd.f32 v13, v5;
	v14 =	vand.u32 $0x1FF80, v14;
	v5 =	vld.idx.msk [tilespmem:v8+s12+$0x0], $0xffff  }
0x1b2: {  	v14 =	vor.u32 v1, v14;
	v1 =	vld [tilespmem:$0x1FF30]  }
0x1b3: {  	v13 =	vadd.s32 $0x12, v0;
	v9 =	vld.idx.msk [tilespmem:v23+s12+$0x0], $0xffff  }
0x1b4: {  	v22 =	vmul.f32 v25, v22;
	v25 =	vadd.s32 $0xB, v0;
	v34 =	vld.idx.msk [tilespmem:v49+s15+$0x0], $0xffff  }
0x1b5: {  	v49 =	vld [tilespmem:$0x1FF20]  }
0x1b6: {  	v16 =	vadd.f32 v22, v16;
	v22 =	vadd.s32 $0xF, v0;
	v2 =	vld [tilespmem:$0x1FE40]  }
0x1b7: {  	v28 =	vor.u32 v50, v28;
	v50 =	vld [tilespmem:$0x1FE50];
	v8 =	vadd.s32 s31, v1  }
0x1b8: {  	v23 =	vor.u32 $0x1, v0;
	v33 =	vand.u32 $0x1FF80, v8;
	v8 =	vld.idx.msk [tilespmem:v13+s12+$0x0], $0xffff;
	v13 =	vadd.s32 s31, v43  }
0x1b9: {  	v25 =	vld.idx.msk [tilespmem:v25+s12+$0x0], $0xffff;
	v13 =	vand.u32 $0x1FF80, v13  }
0x1ba: {  	v13 =	vor.u32 v49, v13;
	v49 =	vld [tilespmem:$0x1FD70]  }
0x1bb: {  	v22 =	vld.idx.msk [tilespmem:v22+s12+$0x0], $0xffff;
	v35 =	vadd.s32 s31, v2  }
0x1bc: {  	v20 =	vld.idx.msk [tilespmem:v20+s15+$0x0], $0xffff;
	v35 =	vand.u32 $0x1FF80, v35  }
0x1bd: {  	v29 =	vadd.s32 s31, v53;
	v23 =	vld.idx.msk [tilespmem:v23+s12+$0x0], $0xffff;
	v35 =	vor.u32 v50, v35  }
0x1be: {  	v29 =	vand.u32 $0x1FF80, v29;
	v28 =	vld.idx.msk [tilespmem:v28+s15+$0x0], $0xffff;
	v33 =	vor.u32 v46, v33  }
0x1bf: {  	v29 =	vor.u32 v49, v29;
	v49 =	vld [tilespmem:$0x1FD40]  }
0x1c0: {  	v14 =	vld.idx.msk [tilespmem:v14+s15+$0x0], $0xffff  }
0x1c1: {  	v50 =	vld [tilespmem:$0x1FEC0]  }
0x1c2: {  	v48 =	vadd.s32 s31, v48;
	v35 =	vld.idx.msk [tilespmem:v35+s15+$0x0], $0xffff  }
0x1c3: {  	v48 =	vand.u32 $0x1FF80, v48;
	v33 =	vld.idx.msk [tilespmem:v33+s15+$0x0], $0xffff  }
0x1c4: {  	v48 =	vor.u32 v49, v48;
	v49 =	vld.idx.msk [tilespmem:v13+s15+$0x0], $0xffff  }
0x1c5: {  	v13 =	vmul.f32 v14, v21;
	v14 =	vmul.f32 v17, v18;
	v17 =	vld [tilespmem:$0x1FE90]  }
0x1c6: {  	v18 =	vld.idx.msk [tilespmem:v26+s15+$0x0], $0xffff  }
0x1c7: {  	v21 =	vld [tilespmem:$0x1FD10]  }
0x1c8: {  	v52 =	vadd.s32 s31, v58;
	v39 =	vand.u32 $0x1FF80, v39;
	v33 =	vmul.f32 v33, v11;
	v26 =	vld [tilespmem:$0x1FDF0]  }
0x1c9: {  	v38 =	vand.u32 $0x1FF80, v52;
	v39 =	vor.u32 v44, v39;
	v46 =	vld [tilespmem:$0x1FFD0]  }
0x1ca: {  	v38 =	vor.u32 v63, v38;
	v11 =	vadd.s32 s31, v59;
	v59 =	vld [tilespmem:$0x1FE00];
	v16 =	vadd.f32 v33, v16  }
0x1cb: {  	v31 =	vadd.s32 s31, v57;
	v12 =	vmul.f32 v35, v12;
	v29 =	vld.idx.msk [tilespmem:v29+s15+$0x0], $0xffff  }
0x1cc: {  	v14 =	vadd.f32 v14, v16;
	v16 =	vld [tilespmem:$0x1FDC0];
	v17 =	vadd.s32 s31, v17;
	v21 =	vadd.s32 s31, v21  }
0x1cd: {  	v26 =	vadd.s32 s31, v26;
	v48 =	vld.idx.msk [tilespmem:v48+s15+$0x0], $0xffff;
	v18 =	vmul.f32 v18, v27;
	v17 =	vand.u32 $0x1FF80, v17  }
0x1ce: {  	v27 =	vmul.f32 v28, v32;
	v28 =	vld.idx.msk [tilespmem:v39+s15+$0x0], $0xffff;
	v21 =	vand.u32 $0x1FF80, v21;
	v17 =	vor.u32 v50, v17  }
0x1cf: {  	v50 =	vand.u32 $0x1FF80, v11;
	v11 =	vmul.f32 v20, v15;
	v15 =	vmul.f32 v49, v24;
	v24 =	vld.idx.msk [tilespmem:v38+s15+$0x0], $0xffff  }
0x1d0: {  	v31 =	vand.u32 $0x1FF80, v31;
	v26 =	vand.u32 $0x1FF80, v26;
	v21 =	vor.u32 v45, v21;
	v45 =	vld [tilespmem:$0x1FFC0]  }
0x1d1: {  	s25 =	simm.s32 $0x180;
	v12 =	vadd.f32 v12, v14;
	v26 =	vor.u32 v59, v26;
	v20 =	vadd.s32 s31, v46;
	v59 =	vld [tilespmem:$0x1FF70]  }
0x1d2: {  	v14 =	vadd.s32 s25, v54;
	v20 =	vand.u32 $0x1FF80, v20;
	v16 =	vor.u32 v16, v31;
	v31 =	vld [tilespmem:$0x1FD80]  }
0x1d3: {  	v14 =	vand.u32 $0x1FF80, v14;
	v20 =	vor.u32 v62, v20;
	v62 =	vld [tilespmem:$0x1FE10]  }
0x1d4: {  	v15 =	vadd.f32 v15, v7;
	v7 =	vor.u32 v61, v14;
	v14 =	vld.idx.msk [tilespmem:v37+s15+$0x0], $0xffff  }
0x1d5: {  	v17 =	vld.idx.msk [tilespmem:v17+s15+$0x0], $0xffff  }
0x1d6: {  	v33 =	vadd.s32 s31, v59;
	v59 =	vld [tilespmem:$0x1FF80]  }
0x1d7: {  	v19 =	vadd.s32 s31, v51;
	v26 =	vld.idx.msk [tilespmem:v26+s15+$0x0], $0xffff  }
0x1d8: {  	v52 =	vmov v42;
	v42 =	vor.u32 $0x7, v0;
	v19 =	vand.u32 $0x1FF80, v19;
	v21 =	vld.idx.msk [tilespmem:v21+s15+$0x0], $0xffff  }
0x1d9: {  	v33 =	vand.u32 $0x1FF80, v33;
	v19 =	vor.u32 v31, v19;
	v16 =	vld.idx.msk [tilespmem:v16+s15+$0x0], $0xffff  }
0x1da: {  	v49 =	vadd.s32 s31, v45;
	v33 =	vor.u32 v62, v33;
	v20 =	vld.idx.msk [tilespmem:v20+s15+$0x0], $0xffff  }
0x1db: {  	v38 =	vand.u32 $0x1FF80, v49;
	v62 =	vadd.s32 s25, v1;
	v1 =	vld [tilespmem:$0x1FF40]  }
0x1dc: {  	v39 =	vadd.s32 s25, v57;
	v57 =	vld.idx.msk [tilespmem:v7+s15+$0x0], $0xffff;
	v38 =	vor.u32 v59, v38  }
0x1dd: {  	v54 =	vmul.u32 $0x18, v40;
	v59 =	vld.idx.msk [tilespmem:v42+s12+$0x0], $0xffff  }
0x1de: {  	v30 =	vmul.f32 v48, v30;
	v49 =	vor.u32 v52, v50;
	v19 =	vld.idx.msk [tilespmem:v19+s15+$0x0], $0xffff  }
0x1df: {  	v52 =	vmul.f32 v29, v36;
	v22 =	vmul.f32 v26, v22;
	v26 =	vor.u32 $0x2, v54;
	v33 =	vld.idx.msk [tilespmem:v33+s15+$0x0], $0xffff  }
0x1e0: {  	v36 =	vadd.s32 s25, v1;
	v1 =	vadd.s32 s25, v2;
	v2 =	vmul.f32 v14, v4;
	v4 =	vld [tilespmem:$0x1FEF0]  }
0x1e1: {  	v10 =	vmul.f32 v24, v10;
	v61 =	vmul.f32 v17, v41;
	v14 =	vadd.s32 $0x14, v54;
	v24 =	vld.idx.msk [tilespmem:v38+s15+$0x0], $0xffff  }
0x1e2: {  	v12 =	vadd.f32 v30, v12;
	v17 =	vmul.f32 v21, v23;
	v21 =	vmul.f32 v28, v3;
	v3 =	vld [tilespmem:$0x1FC10]  }
0x1e3: {  	v28 =	vld.idx.msk [tilespmem:v49+s15+$0x0], $0xffff;
	v20 =	vmul.f32 v20, v59;
	v59 =	vadd.s32 $0x8, v54  }
0x1e4: {  	v40 =	vadd.f32 v21, v12;
	v12 =	vadd.s32 $0xC, v54;
	v49 =	vld.idx.msk [tilespmem:v26+s12+$0x0], $0xffff;
	v26 =	vand.u32 $0x1FF80, v36  }
0x1e5: {  	v25 =	vmul.f32 v33, v25;
	v26 =	vor.u32 v4, v26;
	v15 =	vadd.f32 v20, v15;
	v4 =	vld [tilespmem:$0x1FC20]  }
0x1e6: {  	v6 =	vadd.f32 v17, v6;
	v7 =	vmul.f32 v19, v5;
	v50 =	vld.idx.msk [tilespmem:v14+s12+$0x0], $0xffff;
	v5 =	vmul.f32 v24, v9  }
0x1e7: {  	v14 =	vadd.f32 v25, v15;
	v15 =	vld [tilespmem:$0x1FF10]  }
0x1e8: {  	v6 =	vadd.f32 v5, v6;
	v5 =	vld.idx.msk [tilespmem:v59+s12+$0x0], $0xffff  }
0x1e9: {  	v0 =	vadd.s32 $0xA, v0;
	v59 =	vld.idx.msk [tilespmem:v12+s12+$0x0], $0xffff  }
0x1ea: {  	v24 =	vadd.s32 $0x15, v54;
	v12 =	vld [tilespmem:$0x1FEE0]  }
0x1eb: {  	v30 =	vor.u32 $0x4, v54;
	v21 =	vmul.f32 v28, v3  }
0x1ec: {  	v8 =	vmul.f32 v16, v8;
	v16 =	vadd.s32 $0xD, v54;
	v17 =	vld.idx.msk [tilespmem:v54+s12+$0x0], $0xffff  }
0x1ed: {  	v4 =	vadd.f32 v21, v4;
	v15 =	vadd.s32 s25, v15  }
0x1ee: {  	v42 =	vld.idx.msk [tilespmem:v0+s12+$0x0], $0xffff;
	v18 =	vadd.f32 v18, v6;
	v6 =	vand.u32 $0x1FF80, v15  }
0x1ef: {  	v4 =	vadd.f32 v13, v4;
	v13 =	vor.u32 v12, v6;
	v12 =	vld.idx.msk [tilespmem:v24+s12+$0x0], $0xffff  }
0x1f0: {  	v35 =	vadd.s32 s25, v53;
	v53 =	vor.u32 $0x6, v54;
	v0 =	vand.u32 $0x1FF80, v62;
	v62 =	vld.idx.msk [tilespmem:v30+s12+$0x0], $0xffff  }
0x1f1: {  	v17 =	vmul.f32 v57, v17;
	v20 =	vadd.s32 $0x16, v54;
	v57 =	vld.idx.msk [tilespmem:v16+s12+$0x0], $0xffff  }
0x1f2: {  	v56 =	vadd.s32 s25, v56;
	v37 =	vor.u32 $0x5, v54;
	v16 =	vld [tilespmem:$0x1FE60]  }
0x1f3: {  	v56 =	vand.u32 $0x1FF80, v56;
	v9 =	vadd.s32 $0x10, v54;
	v18 =	vadd.f32 v10, v18;
	v10 =	vld [tilespmem:$0x1FE20]  }
0x1f4: {  	v29 =	vadd.s32 s25, v51;
	v30 =	vor.u32 $0x3, v54;
	[tilespmem:$0x1FC30] =	vst v12;
	v12 =	vadd.f32 v22, v14;
	v14 =	vld [tilespmem:$0x1FF00]  }
0x1f5: {  	v31 =	vadd.s32 s25, v60;
	v60 =	vadd.s32 s25, v47;
	v34 =	vmul.f32 v34, v42;
	v3 =	vld.idx.msk [tilespmem:v53+s12+$0x0], $0xffff  }
0x1f6: {  	v51 =	vor.u32 $0x1, v54;
	v23 =	vadd.s32 s25, v43;
	v28 =	vadd.s32 $0x11, v54;
	v53 =	vld.idx.msk [tilespmem:v20+s12+$0x0], $0xffff  }
0x1f7: {  	v25 =	vadd.s32 $0x12, v54;
	v15 =	vadd.s32 s25, v58;
	v58 =	vld.idx.msk [tilespmem:v37+s12+$0x0], $0xffff;
	v4 =	vadd.f32 v34, v4  }
0x1f8: {  	v20 =	vadd.s32 s25, v16;
	v9 =	vld.idx.msk [tilespmem:v9+s12+$0x0], $0xffff;
	v6 =	vand.u32 $0x1FF80, v31;
	v22 =	vadd.s32 s25, v10  }
0x1f9: {  	v24 =	vor.u32 v14, v6;
	v6 =	vld.idx.msk [tilespmem:v30+s12+$0x0], $0xffff;
	v30 =	vand.u32 $0x1FF80, v20;
	v20 =	vadd.f32 v27, v4  }
0x1fa: {  	v41 =	vadd.s32 $0x9, v54;
	v11 =	vadd.f32 v11, v18;
	v18 =	vand.u32 $0x1FF80, v22;
	v22 =	vld [tilespmem:$0x1FE30]  }
0x1fb: {  	v23 =	vand.u32 $0x1FF80, v23;
	v19 =	vadd.s32 $0xE, v54;
	v20 =	vadd.f32 v8, v20;
	v8 =	vld [tilespmem:$0x1FF20]  }
0x1fc: {  	v21 =	vadd.s32 $0x17, v54;
	v31 =	vadd.s32 s25, v55;
	v55 =	vld.idx.msk [tilespmem:v25+s12+$0x0], $0xffff;
	v10 =	vand.u32 $0x1FF80, v15  }
0x1fd: {  	v25 =	vand.u32 $0x1FF80, v35;
	v15 =	vadd.f32 v17, v40;
	v17 =	vld.idx.msk [tilespmem:v28+s12+$0x0], $0xffff;
	v16 =	vor.u32 v63, v10  }
0x1fe: {  	v10 =	vld.idx.msk [tilespmem:v13+s15+$0x0], $0xffff;
	v13 =	vand.u32 $0x1FF80, v39;
	v63 =	vand.u32 $0x1FF80, v29;
	v4 =	vor.u32 $0x7, v54  }
0x1ff: {  	v14 =	vld.idx.msk [tilespmem:v26+s15+$0x0], $0xffff;
	v26 =	vadd.s32 $0xB, v54;
	v28 =	vor.u32 v22, v18;
	v22 =	vadd.s32 $0xF, v54  }
0x200: {  	s26 =	simm.s32 $0x300;
	v18 =	vld.idx.msk [tilespmem:v41+s12+$0x0], $0xffff;
	v27 =	vor.u32 v8, v23;
	v23 =	vand.u32 $0x1FF80, v31;
	v8 =	vor.u32 v44, v30  }
.LBB2_5:
0x201: {  	v31 =	vadd.f32 v61, v12;
	v12 =	vld [tilespmem:$0x1FF90];
	_ =	sdelay $0x4  }
0x202: {  	v0 =	vor.u32 v12, v0;
	v12 =	vld [tilespmem:$0x1FF50];
	_ =	sdelay $0x3  }
0x203: {  	v29 =	vand.u32 $0x1FF80, v60  }
0x204: {  	v29 =	vor.u32 v12, v29;
	v12 =	vadd.f32 v7, v20;
	v7 =	vld [tilespmem:$0x1FD30];
	_ =	sdelay $0x1  }
0x205: {  	v19 =	vld.idx.msk [tilespmem:v19+s12+$0x0], $0xffff  }
0x206: {  	v33 =	vadd.f32 v2, v11;
	v11 =	vld [tilespmem:$0x1FE50]  }
0x207: {  	v28 =	vld.idx.msk [tilespmem:v28+s15+$0x0], $0xffff  }
0x208: {  	v20 =	vadd.s32 s25, v7;
	v7 =	vld.idx.msk [tilespmem:v24+s15+$0x0], $0xffff  }
0x209: {  	v24 =	vld [tilespmem:$0x1FE80]  }
0x20a: {  	v1 =	vand.u32 $0x1FF80, v1;
	v10 =	vmul.f32 v10, v3;
	v3 =	vld [tilespmem:$0x1FD40]  }
0x20b: {  	v1 =	vor.u32 v11, v1;
	v11 =	vld [tilespmem:$0x1FDE0]  }
0x20c: {  	v21 =	vld.idx.msk [tilespmem:v21+s12+$0x0], $0xffff  }
0x20d: {  	v27 =	vld.idx.msk [tilespmem:v27+s15+$0x0], $0xffff  }
0x20e: {  	v42 =	vld [tilespmem:$0x1FF80];
	v24 =	vadd.s32 s25, v24  }
0x20f: {  	v48 =	vld [tilespmem:$0x1FE00];
	v24 =	vand.u32 $0x1FF80, v24  }
0x210: {  	v3 =	vor.u32 v3, v24;
	v24 =	vor.u32 v11, v56;
	v11 =	vld [tilespmem:$0x1FED0]  }
0x211: {  	v30 =	vadd.s32 $0x13, v54;
	v37 =	vadd.s32 $0xA, v54;
	v54 =	vld [tilespmem:$0x1FE10]  }
0x212: {  	v16 =	vld.idx.msk [tilespmem:v16+s15+$0x0], $0xffff  }
0x213: {  	v22 =	vld.idx.msk [tilespmem:v22+s12+$0x0], $0xffff  }
0x214: {  	v8 =	vld.idx.msk [tilespmem:v8+s15+$0x0], $0xffff  }
0x215: {  	v23 =	vor.u32 v11, v23;
	v11 =	vld [tilespmem:$0x1FD70]  }
0x216: {  	s24 =	sadd.s32 $0x10, s24;
	v4 =	vld.idx.msk [tilespmem:v4+s12+$0x0], $0xffff  }
0x217: {  	v32 =	vld [tilespmem:s24+$0x0]  }
0x218: {  	v0 =	vld.idx.msk [tilespmem:v0+s15+$0x0], $0xffff  }
0x219: {  	v2 =	vld.idx.msk [tilespmem:v26+s12+$0x0], $0xffff  }
0x21a: {  	v5 =	vmul.f32 v14, v5;
	v14 =	vor.u32 v11, v25;
	v11 =	vld [tilespmem:$0x1FD10]  }
0x21b: {  	v1 =	vld.idx.msk [tilespmem:v1+s15+$0x0], $0xffff  }
0x21c: {  	v6 =	vmul.f32 v27, v6;
	v27 =	vld [tilespmem:$0x1FFF0]  }
0x21d: {  	v29 =	vld.idx.msk [tilespmem:v29+s15+$0x0], $0xffff;
	v0 =	vmul.f32 v0, v62  }
0x21e: {  	v31 =	vadd.f32 v52, v31;
	v52 =	vld [tilespmem:$0x1FEC0]  }
0x21f: {  	v0 =	vadd.f32 v0, v15;
	v25 =	vadd.s32 s25, v11;
	v11 =	vld [tilespmem:$0x1FDF0]  }
0x220: {  	v30 =	vld.idx.msk [tilespmem:v30+s12+$0x0], $0xffff;
	v20 =	vand.u32 $0x1FF80, v20;
	v1 =	vmul.f32 v1, v59  }
0x221: {  	v15 =	vadd.s32 s25, v46;
	v27 =	vor.u32 v27, v20;
	v5 =	vadd.f32 v5, v0;
	v0 =	vld [tilespmem:$0x1FDC0]  }
0x222: {  	v20 =	vand.u32 $0x1FF80, v15;
	v15 =	vmul.f32 v29, v18;
	v18 =	vld [tilespmem:$0x1FF60]  }
0x223: {  	v1 =	vadd.f32 v1, v5;
	v5 =	vld [tilespmem:$0x1FF40]  }
0x224: {  	v26 =	vadd.s32 s25, v11;
	v11 =	vld [tilespmem:$0x1FF70]  }
0x225: {  	v56 =	vld [tilespmem:$0x1FD20]  }
0x226: {  	v27 =	vld.idx.msk [tilespmem:v27+s15+$0x0], $0xffff;
	v13 =	vor.u32 v0, v13  }
0x227: {  	v0 =	vld [tilespmem:$0x1FD90];
	v26 =	vand.u32 $0x1FF80, v26  }
0x228: {  	v24 =	vld.idx.msk [tilespmem:v24+s15+$0x0], $0xffff;
	v26 =	vor.u32 v48, v26  }
0x229: {  	v35 =	vadd.s32 s25, v11;
	v11 =	vld [tilespmem:$0x1FE90]  }
0x22a: {  	v3 =	vld.idx.msk [tilespmem:v3+s15+$0x0], $0xffff  }
0x22b: {  	v13 =	vld.idx.msk [tilespmem:v13+s15+$0x0], $0xffff;
	v25 =	vand.u32 $0x1FF80, v25  }
0x22c: {  	v14 =	vld.idx.msk [tilespmem:v14+s15+$0x0], $0xffff;
	v25 =	vor.u32 v56, v25  }
0x22d: {  	v29 =	vor.u32 v18, v20;
	v18 =	vmul.f32 v24, v19;
	v19 =	vld.idx.msk [tilespmem:v26+s15+$0x0], $0xffff  }
0x22e: {  	s28 =	smov.u32 s26;
	v26 =	vld [tilespmem:$0x1FDD0];
	v36 =	vadd.s32 s25, v11  }
0x22f: {  	v34 =	vadd.s32 s25, v45;
	v23 =	vld.idx.msk [tilespmem:v23+s15+$0x0], $0xffff;
	v11 =	vmul.f32 v28, v17;
	s25 =	smov.u32 s28;
	v17 =	vand.u32 $0x1FF80, v36  }
0x230: {  	v20 =	vadd.s32 s25, v0;
	v0 =	vld [tilespmem:$0x1FD80];
	v17 =	vor.u32 v52, v17  }
0x231: {  	v41 =	vand.u32 $0x1FF80, v35;
	v28 =	vand.u32 $0x1FF80, v34;
	v52 =	vmul.f32 v14, v21;
	v14 =	vld.idx.msk [tilespmem:v25+s15+$0x0], $0xffff  }
0x232: {  	v34 =	vor.u32 v54, v41;
	v54 =	vmul.u32 $0x18, v32;
	v28 =	vor.u32 v42, v28;
	v25 =	vld.idx.msk [tilespmem:v51+s12+$0x0], $0xffff  }
0x233: {  	v35 =	vadd.s32 s25, v26;
	v26 =	vld.idx.msk [tilespmem:v29+s15+$0x0], $0xffff  }
0x234: {  	v22 =	vmul.f32 v19, v22;
	v19 =	vld.idx.msk [tilespmem:v37+s12+$0x0], $0xffff  }
0x235: {  	v17 =	vld.idx.msk [tilespmem:v17+s15+$0x0], $0xffff  }
0x236: {  	v6 =	vadd.f32 v6, v31;
	v31 =	vor.u32 $0x4, v54;
	v21 =	vor.u32 v0, v63;
	v0 =	vld [tilespmem:$0x1FFA0]  }
0x237: {  	v29 =	vmul.f32 v16, v57;
	v32 =	vor.u32 $0x6, v54;
	v16 =	vld.idx.msk [tilespmem:v28+s15+$0x0], $0xffff  }
0x238: {  	v3 =	vmul.f32 v3, v9;
	v41 =	vadd.s32 $0x14, v54;
	v38 =	vld.idx.msk [tilespmem:v54+s12+$0x0], $0xffff  }
0x239: {  	v8 =	vmul.f32 v8, v50;
	v59 =	vadd.s32 $0xC, v54;
	v14 =	vmul.f32 v14, v25;
	v25 =	vld [tilespmem:$0x1FD00]  }
0x23a: {  	v3 =	vadd.f32 v3, v1;
	v39 =	vadd.s32 $0xD, v54;
	v61 =	vmul.f32 v17, v30;
	v17 =	vld [tilespmem:$0x1FD60]  }
0x23b: {  	v62 =	vld.idx.msk [tilespmem:v31+s12+$0x0], $0xffff  }
0x23c: {  	v8 =	vadd.f32 v8, v3;
	v3 =	vld.idx.msk [tilespmem:v32+s12+$0x0], $0xffff  }
0x23d: {  	v50 =	vld.idx.msk [tilespmem:v41+s12+$0x0], $0xffff  }
0x23e: {  	v59 =	vld.idx.msk [tilespmem:v59+s12+$0x0], $0xffff  }
0x23f: {  	v4 =	vmul.f32 v26, v4;
	v57 =	vld.idx.msk [tilespmem:v39+s12+$0x0], $0xffff;
	v17 =	vadd.s32 s25, v17  }
0x240: {  	v1 =	vand.u32 $0x1FF80, v17;
	v17 =	vld.idx.msk [tilespmem:v34+s15+$0x0], $0xffff  }
0x241: {  	v42 =	vadd.s32 $0x12, v54;
	v4 =	vadd.f32 v4, v6;
	v6 =	vld [tilespmem:$0x1FF00];
	v25 =	vor.u32 v25, v1  }
0x242: {  	v14 =	vadd.f32 v14, v33;
	v24 =	vadd.s32 s25, v0;
	v0 =	vld [tilespmem:$0x1FDB0];
	v16 =	vmul.f32 v16, v58  }
0x243: {  	v21 =	vld.idx.msk [tilespmem:v21+s15+$0x0], $0xffff  }
0x244: {  	v16 =	vadd.f32 v16, v14;
	v14 =	vand.u32 $0x1FF80, v24;
	v24 =	vld [tilespmem:$0x1FEB0]  }
0x245: {  	v17 =	vmul.f32 v17, v2;
	v2 =	vld [tilespmem:$0x1FC30]  }
0x246: {  	v48 =	vmovc v47;
	v60 =	vadd.s32 s25, v47;
	v5 =	vadd.s32 s25, v5;
	v47 =	vmov v46;
	v25 =	vld.idx.msk [tilespmem:v25+s15+$0x0], $0xffff  }
0x247: {  	v46 =	vmovc v45;
	v45 =	vmovc v43;
	v28 =	vadd.s32 s25, v43;
	v43 =	vmul.f32 v13, v55;
	v26 =	vadd.s32 $0x8, v54;
	v55 =	vld.idx.msk [tilespmem:v42+s12+$0x0], $0xffff  }
0x248: {  	v37 =	vmul.f32 v7, v19;
	v7 =	vmul.f32 v21, v53;
	v21 =	vand.u32 $0x1FF80, v5;
	v5 =	vld [tilespmem:$0x1FF10]  }
0x249: {  	v15 =	vadd.f32 v15, v16;
	v16 =	vld [tilespmem:$0x1FEA0]  }
0x24a: {  	v0 =	vadd.s32 s25, v0;
	v63 =	vadd.s32 s25, v24;
	v24 =	vor.u32 v6, v14;
	v6 =	vld [tilespmem:$0x1FE20]  }
0x24b: {  	v2 =	vmul.f32 v23, v2;
	v23 =	vadd.s32 $0x15, v54;
	v38 =	vmul.f32 v25, v38;
	v25 =	vld [tilespmem:$0x1FEE0]  }
0x24c: {  	v27 =	vmul.f32 v27, v49;
	v56 =	vand.u32 $0x1FF80, v0;
	v0 =	vld [tilespmem:$0x1FDA0]  }
0x24d: {  	v13 =	vadd.s32 s25, v5;
	v5 =	vld.idx.msk [tilespmem:v26+s12+$0x0], $0xffff  }
0x24e: {  	v12 =	vadd.f32 v27, v12;
	v30 =	vor.u32 $0x2, v54;
	v26 =	vld [tilespmem:$0x1FEF0]  }
0x24f: {  	v34 =	vor.u32 $0x5, v54;
	v1 =	vld [tilespmem:$0x1FE40];
	v13 =	vand.u32 $0x1FF80, v13;
	v27 =	vadd.f32 v17, v4  }
0x250: {  	v13 =	vor.u32 v25, v13;
	v25 =	vadd.s32 s25, v6;
	v6 =	vld.idx.msk [tilespmem:v23+s12+$0x0], $0xffff;
	v23 =	vand.u32 $0x1FF80, v28  }
0x251: {  	v28 =	vadd.f32 v10, v12;
	v12 =	vadd.f32 v22, v27;
	v22 =	vand.u32 $0x1FF80, v25;
	v25 =	vld [tilespmem:$0x1FE30]  }
0x252: {  	v9 =	vadd.s32 s25, v0;
	v0 =	vld [tilespmem:$0x1FF30]  }
0x253: {  	v17 =	vld [tilespmem:$0x1FE60];
	v26 =	vor.u32 v26, v21  }
0x254: {  	v51 =	vor.u32 $0x1, v54;
	v40 =	vadd.s32 $0x10, v54;
	v31 =	vadd.s32 $0x11, v54;
	v30 =	vld.idx.msk [tilespmem:v30+s12+$0x0], $0xffff  }
0x255: {  	v19 =	vadd.s32 $0xE, v54;
	v32 =	vadd.s32 $0x16, v54;
	v33 =	vadd.s32 $0x9, v54;
	[tilespmem:$0x1FC30] =	vst v6;
	v6 =	vld [tilespmem:$0x1FE70]  }
0x256: {  	v53 =	vor.u32 $0x3, v54;
	v58 =	vld.idx.msk [tilespmem:v34+s12+$0x0], $0xffff;
	v27 =	vadd.f32 v37, v28;
	v28 =	vor.u32 v25, v22  }
0x257: {  	v25 =	vand.u32 $0x1FF80, v9;
	v9 =	vadd.f32 v29, v15;
	v15 =	vadd.f32 v38, v8;
	v8 =	vld [tilespmem:$0x1FF20]  }
0x258: {  	v1 =	vadd.s32 s25, v1;
	v0 =	vadd.s32 s25, v0;
	v17 =	vadd.s32 s25, v17;
	v14 =	vld.idx.msk [tilespmem:v26+s15+$0x0], $0xffff  }
0x259: {  	p0 =	sne.s32 s26, $0xBE80;
	v49 =	vmovc v30;
	v21 =	vadd.s32 $0x17, v54;
	v0 =	vand.u32 $0x1FF80, v0;
	v30 =	vand.u32 $0x1FF80, v17;
	v17 =	vld.idx.msk [tilespmem:v31+s12+$0x0], $0xffff  }
.Ltmp1:
0x25a: {  	v10 =	vld.idx.msk [tilespmem:v13+s15+$0x0], $0xffff;
	v13 =	vand.u32 $0x1FF80, v35;
	v22 =	vadd.s32 $0xF, v54;
	v26 =	vadd.s32 s25, v6;
	(pc) =	sbr.rel @p0 .LBB2_5-.Ltmp1, $4  }
0x25b: {  	v29 =	vadd.f32 v18, v27;
	v18 =	vld.idx.msk [tilespmem:v33+s12+$0x0], $0xffff;
	v11 =	vadd.f32 v11, v9;
	v4 =	vand.u32 $0x1FF80, v26  }
0x25c: {  	v9 =	vld.idx.msk [tilespmem:v40+s12+$0x0], $0xffff;
	v26 =	vadd.s32 $0xB, v54;
	v27 =	vor.u32 v8, v23;
	v23 =	vand.u32 $0x1FF80, v63  }
0x25d: {  	v6 =	vld.idx.msk [tilespmem:v53+s12+$0x0], $0xffff;
	v8 =	vor.u32 v44, v30;
	v63 =	vand.u32 $0x1FF80, v20;
	v20 =	vadd.f32 v43, v29;
	v43 =	vmovc v45  }
0x25e: {  	s26 =	sadd.s32 $0x180, s26;
	v53 =	vld.idx.msk [tilespmem:v32+s12+$0x0], $0xffff;
	v45 =	vmovc v46;
	v46 =	vmovc v47;
	v47 =	vmov v48;
	v16 =	vor.u32 v16, v4;
	v4 =	vor.u32 $0x7, v54  }
0x25f: {  	_ =	sdelay $0x3  }
0x260: {  	v19 =	vld.idx.msk [tilespmem:v19+s12+$0x0], $0xffff  }
0x261: {  	v41 =	vld [tilespmem:$0x1FF90]  }
0x262: {  	v24 =	vld.idx.msk [tilespmem:v24+s15+$0x0], $0xffff  }
0x263: {  	v28 =	vld.idx.msk [tilespmem:v28+s15+$0x0], $0xffff  }
0x264: {  	v48 =	vld [tilespmem:$0x1FF50]  }
0x265: {  	v34 =	vld.idx.msk [tilespmem:v26+s12+$0x0], $0xffff  }
0x266: {  	v35 =	vld [tilespmem:$0x1FDE0]  }
0x267: {  	v21 =	vld.idx.msk [tilespmem:v21+s12+$0x0], $0xffff  }
0x268: {  	v30 =	vand.u32 $0x1FF80, v60;
	v60 =	vld [tilespmem:$0x1FE80]  }
0x269: {  	v33 =	vld [tilespmem:$0x1FD70]  }
0x26a: {  	v37 =	vld [tilespmem:$0x1FD40]  }
0x26b: {  	v27 =	vld.idx.msk [tilespmem:v27+s15+$0x0], $0xffff  }
0x26c: {  	v38 =	vld [tilespmem:$0x1FD10]  }
0x26d: {  	v42 =	vld [tilespmem:$0x1FFF0]  }
0x26e: {  	v26 =	vld.idx.msk [tilespmem:v16+s15+$0x0], $0xffff  }
0x26f: {  	v29 =	vadd.s32 $0x13, v54;
	v12 =	vadd.f32 v61, v12;
	v61 =	vld [tilespmem:$0x1FE90]  }
0x270: {  	v16 =	vld [tilespmem:$0x1FF80]  }
0x271: {  	v44 =	vld [tilespmem:$0x1FE10]  }
0x272: {  	v4 =	vld.idx.msk [tilespmem:v4+s12+$0x0], $0xffff  }
0x273: {  	v31 =	vor.u32 v35, v56;
	v56 =	vld [tilespmem:$0x1FE50]  }
0x274: {  	v36 =	vld.idx.msk [tilespmem:v29+s12+$0x0], $0xffff  }
0x275: {  	[tilespmem:$0x1FBF0] =	vst v34;
	v34 =	vld [tilespmem:$0x1FD30]  }
0x276: {  	v35 =	vld [tilespmem:$0x1FD20]  }
0x277: {  	v0 =	vor.u32 v41, v0;
	v29 =	vld [tilespmem:$0x1FF60]  }
0x278: {  	[tilespmem:$0x1FBE0] =	vst v24;
	v30 =	vor.u32 v48, v30;
	v24 =	vld.idx.msk [tilespmem:v22+s12+$0x0], $0xffff  }
0x279: {  	v22 =	vld [tilespmem:$0x1FF70]  }
0x27a: {  	v3 =	vmul.f32 v10, v3;
	v25 =	vor.u32 v33, v25;
	v10 =	vmul.f32 v28, v17;
	v28 =	vld [tilespmem:$0x1FDC0]  }
0x27b: {  	v33 =	vadd.s32 s25, v38;
	v38 =	vadd.s32 $0xA, v54;
	v54 =	vld [tilespmem:$0x1FE40]  }
0x27c: {  	v32 =	vadd.s32 s25, v60;
	v0 =	vld.idx.msk [tilespmem:v0+s15+$0x0], $0xffff  }
0x27d: {  	v32 =	vand.u32 $0x1FF80, v32;
	v30 =	vld.idx.msk [tilespmem:v30+s15+$0x0], $0xffff  }
0x27e: {  	v1 =	vand.u32 $0x1FF80, v1;
	v32 =	vor.u32 v37, v32;
	v31 =	vld.idx.msk [tilespmem:v31+s15+$0x0], $0xffff  }
0x27f: {  	v39 =	vadd.s32 s25, v46;
	v33 =	vand.u32 $0x1FF80, v33;
	v1 =	vor.u32 v56, v1;
	v25 =	vld.idx.msk [tilespmem:v25+s15+$0x0], $0xffff  }
0x280: {  	v33 =	vor.u32 v35, v33;
	v35 =	vand.u32 $0x1FF80, v39;
	v39 =	vld.idx.msk [tilespmem:v51+s12+$0x0], $0xffff  }
0x281: {  	v12 =	vadd.f32 v52, v12;
	[tilespmem:$0x1FC00] =	vst v36;
	v36 =	vadd.s32 s25, v45;
	v52 =	vadd.s32 s25, v22;
	v51 =	vld [tilespmem:$0x1FDF0]  }
0x282: {  	v7 =	vadd.f32 v7, v20;
	v20 =	vand.u32 $0x1FF80, v36;
	v36 =	vand.u32 $0x1FF80, v52;
	v52 =	vld [tilespmem:$0x1FE00]  }
0x283: {  	v34 =	vadd.s32 s25, v34;
	v13 =	vor.u32 v28, v13;
	v32 =	vld.idx.msk [tilespmem:v32+s15+$0x0], $0xffff  }
0x284: {  	v34 =	vand.u32 $0x1FF80, v34;
	v35 =	vor.u32 v29, v35;
	v1 =	vld.idx.msk [tilespmem:v1+s15+$0x0], $0xffff  }
0x285: {  	v34 =	vor.u32 v42, v34;
	v33 =	vld.idx.msk [tilespmem:v33+s15+$0x0], $0xffff  }
0x286: {  	v20 =	vor.u32 v16, v20;
	v0 =	vmul.f32 v0, v62;
	v62 =	vld [tilespmem:$0x1FEC0]  }
0x287: {  	v17 =	vmul.f32 v31, v19;
	v31 =	vld [tilespmem:$0x1FED0]  }
0x288: {  	v36 =	vor.u32 v44, v36;
	v13 =	vld.idx.msk [tilespmem:v13+s15+$0x0], $0xffff  }
0x289: {  	v35 =	vld.idx.msk [tilespmem:v35+s15+$0x0], $0xffff  }
0x28a: {  	v34 =	vld.idx.msk [tilespmem:v34+s15+$0x0], $0xffff  }
0x28b: {  	v5 =	vmul.f32 v14, v5;
	v14 =	vld.idx.msk [tilespmem:v20+s15+$0x0], $0xffff  }
0x28c: {  	v40 =	vadd.s32 s25, v51;
	v0 =	vadd.f32 v0, v15;
	v15 =	vmul.f32 v30, v18;
	v30 =	vld [tilespmem:$0x1FD80]  }
0x28d: {  	v2 =	vadd.f32 v2, v11;
	v11 =	vand.u32 $0x1FF80, v40;
	v20 =	vld.idx.msk [tilespmem:v36+s15+$0x0], $0xffff  }
0x28e: {  	v11 =	vor.u32 v52, v11;
	v36 =	vmov v48;
	v48 =	vld [tilespmem:$0x1FDE0]  }
0x28f: {  	v40 =	vmov v22;
	v22 =	vld [tilespmem:$0x1FFA0]  }
0x290: {  	v0 =	vadd.f32 v5, v0;
	v5 =	vld.idx.msk [tilespmem:v38+s12+$0x0], $0xffff  }
0x291: {  	v38 =	vmov v29;
	v29 =	vld [tilespmem:$0x1FF40]  }
0x292: {  	v6 =	vmul.f32 v27, v6;
	v1 =	vmul.f32 v1, v59;
	v59 =	vld [tilespmem:$0x1FEA0]  }
0x293: {  	v11 =	vld.idx.msk [tilespmem:v11+s15+$0x0], $0xffff  }
0x294: {  	v6 =	vadd.f32 v6, v12;
	v12 =	vmul.f32 v14, v58;
	v14 =	vld [tilespmem:$0x1FBE0]  }
0x295: {  	v18 =	vmul.f32 v34, v49;
	v19 =	vor.u32 v30, v63;
	v63 =	vmul.f32 v33, v39;
	v39 =	vmovc v16;
	v16 =	vld [tilespmem:$0x1FF00]  }
0x296: {  	v37 =	vadd.s32 s25, v61;
	v34 =	vld [tilespmem:$0x1FDB0]  }
0x297: {  	v37 =	vand.u32 $0x1FF80, v37;
	v58 =	vld [tilespmem:$0x1FE60];
	v7 =	vadd.f32 v18, v7  }
0x298: {  	v37 =	vor.u32 v62, v37;
	v33 =	vld [tilespmem:$0x1FDA0]  }
0x299: {  	v9 =	vmul.f32 v32, v9;
	v0 =	vadd.f32 v1, v0;
	v3 =	vadd.f32 v3, v7;
	v7 =	vld.idx.msk [tilespmem:v8+s15+$0x0], $0xffff  }
0x29a: {  	v8 =	vld [tilespmem:$0x1FBF0]  }
0x29b: {  	v0 =	vadd.f32 v9, v0;
	v9 =	vld [tilespmem:$0x1FC00]  }
0x29c: {  	v2 =	vadd.f32 v63, v2;
	v63 =	vld [tilespmem:$0x1FEB0]  }
0x29d: {  	v23 =	vor.u32 v31, v23;
	v4 =	vmul.f32 v35, v4;
	v27 =	vld.idx.msk [tilespmem:v37+s15+$0x0], $0xffff  }
0x29e: {  	v37 =	vld [tilespmem:$0x1FDD0];
	v2 =	vadd.f32 v12, v2;
	v12 =	vmul.f32 v26, v57  }
0x29f: {  	v4 =	vadd.f32 v4, v6;
	v57 =	vld [tilespmem:$0x1FE70];
	v5 =	vmul.f32 v14, v5;
	v8 =	vmul.f32 v20, v8  }
0x2a0: {  	v6 =	vld.idx.msk [tilespmem:v19+s15+$0x0], $0xffff  }
0x2a1: {  	v14 =	vld [tilespmem:$0x1FEE0];
	v1 =	vadd.f32 v5, v3;
	v5 =	vmul.f32 v11, v24;
	v4 =	vadd.f32 v8, v4  }
0x2a2: {  	v3 =	vld.idx.msk [tilespmem:v23+s15+$0x0], $0xffff  }
0x2a3: {  	v4 =	vadd.f32 v5, v4;
	v5 =	vmul.f32 v7, v50;
	v7 =	vld [tilespmem:$0x1FC30]  }
0x2a4: {  	s23 =	sadd.s32 $0x1, s23;
	v2 =	vadd.f32 v15, v2;
	v15 =	vld [tilespmem:$0x1FEF0]  }
0x2a5: {  	p0 =	sne.s32 s23, $0x19;
	v11 =	vld [tilespmem:$0x1FF20];
	v1 =	vadd.f32 v17, v1;
	v8 =	vmul.f32 v13, v55  }
.Ltmp2:
0x2a6: {  	v9 =	vmul.f32 v27, v9;
	v2 =	vadd.f32 v12, v2;
	v12 =	vld [tilespmem:$0x1FF30];
	(pc) =	sbr.rel @p0 .LBB2_2-.Ltmp2, $4  }
0x2a7: {  	v21 =	vmul.f32 v25, v21;
	v6 =	vmul.f32 v6, v53;
	v53 =	vld [tilespmem:$0x1FE20];
	v1 =	vadd.f32 v8, v1  }
0x2a8: {  	v13 =	vld [tilespmem:$0x1FF10];
	v3 =	vmul.f32 v3, v7;
	v7 =	vadd.f32 v10, v2;
	v2 =	vadd.f32 v9, v4  }
0x2a9: {  	v35 =	vmov v28;
	v55 =	vld [tilespmem:$0x1FE30];
	v1 =	vadd.f32 v6, v1;
	v10 =	vadd.f32 v5, v0  }
0x2aa: {  	v18 =	vmovc v60;
	v50 =	vmovc v44;
	v44 =	vmov v52;
	v5 =	vadd.f32 v21, v2;
	v2 =	vadd.f32 v3, v7;
	v21 =	vld [tilespmem:$0x1FD90]  }
0x2ab: {  	_ = 	snop  }
0x2ac: {  	v0 =	vadd.f32 v2, v10;
	_ =	sdelay $0x1  }
0x2ad: {  	v0 =	vadd.f32 v1, v0;
	_ =	sdelay $0x1  }
0x2ae: {  	s22 =	sadd.s32 $0x1, s22;
	v0 =	vadd.f32 v5, v0  }
0x2af: {  	p0 =	sne.s32 s22, s11  }
.Ltmp3:
0x2b0: {  	[tilespmem:$0x19280] =	vst v0;
	(pc) =	sbr.rel @p0 .LBB2_1-.Ltmp3, $4  }
0x2b1: {  	[hbm4b:s8+s2] =	stream.linear.scatter [tilespmem:s21], [sflag:$0x5], $0x80, $0x38;
	[tilespmem:$0x19300] =	vst v63  }
0x2b2: {  	_ =	swait.ge [sflag:s13], $0x80  }
0x2b3: {  	[sflag:s13] =	ssyncset.done $0x0  }
0x2b4: {  	[sflag:s13] =	ssyncadd.s32 $0xFFFFFF80  }
0x2b5: {  	_ =	sfence.sel $0x180000  }
0x2b6: {  	[bflag:$0x0] =	sbarrier.arrive $0xFFFF  }
0x2b7: {  	p0 =	sne.s32 s1, $0x0;
	_ =	strace $0x90000047  }
0x2b8: {  	s0 =	sadd.s32 @!p0 $0x100000, s0;
	[bflag:$0x2] =	sbarrier.arrive $0xFFFF  }
0x2b9: {  	[sflag:s0] =	ssyncadd.tile.s32 @!p0 $0x1;
	_ =	shalt  }
.Lfunc_end2:
_tile_overlayer_lowered:
.L_overlay_start_2:
0x2ba: {  	(tag) =	ssettag $0x2  }
0x2bb: {  	s0 =	rddreg [dreg:$0x0];
	s2 =	stileid.u32  }
0x2bc: {  	s1 =	rddreg [dreg:$0x1];
	p0 =	sne.s32 s2, $0x0  }
0x2bd: {  	s3 =	rddreg [dreg:$0x2];
	[bflag:$0x3] =	sbarrier.arrive $0xFFFF;
	s2 =	simm.s32 @!p0 $0x1C05  }
0x2be: {  	[timem:s3], [sflag:s2] =	dma.local @!p0 [hbm:s0], s1  }
0x2bf: {  	s0 =	simm.s32 @!p0 $0x5  }
0x2c0: {  	_ =	swait.ge @!p0 [sflag:s0], s1  }
0x2c1: {  	s1 =	ssub.s32 @!p0 $0x0, s1;
	[sflag:s0] =	ssyncset.done @!p0 $0x0  }
0x2c2: {  	[sflag:s0] =	ssyncadd.s32 @!p0 s1  }
0x2c3: {  	[bflag:$0x3] =	sbarrier.arrive $0xFFFF  }
0x2c4: {  	_ =	shalt  }

</sc_bundles>
